<compile_context>
chip_gen: v7x
topology: tpu7x:2x2x1
jax: 0.10.2.dev20260603
libtpu: 0.0.44.dev20260713+nightly
codegen_flags: <defaults>
</compile_context>

<pallas_src>
import functools

import jax
import jax.numpy as jnp
from jax import lax
from jax.experimental import pallas as pl
from jax.experimental.pallas import tpu as pltpu
from jax.experimental.pallas import tpu_sc as plsc

N = 325
E = 5200
GC = 4
NP = 384
BM = 384


BAND = NP // 16


def _sc_build_adj_body(edge_ref, zeros_ref, at_ref, edge_v, band_v, deg_v):
    cid = lax.axis_index("c")
    sid = lax.axis_index("s")
    lo = sid * BAND
    pltpu.sync_copy(edge_ref, edge_v)
    pltpu.sync_copy(zeros_ref.at[pl.ds(0, BAND)], band_v)
    pltpu.sync_copy(zeros_ref.at[0], deg_v)

    ones = jnp.full((16,), 1.0, dtype=jnp.float32)

    def _deg_body(e, carry):
        d = edge_v[1, pl.ds(e * 16, 16)]
        plsc.addupdate_scatter(deg_v, [d], ones)
        return carry

    lax.fori_loop(0, E // 16, _deg_body, 0, unroll=4)

    def _dinv_body(i, carry):
        d = deg_v[pl.ds(i * 16, 16)] + 1.0
        bits = lax.bitcast_convert_type(d, jnp.int32)
        bits = jnp.int32(0x5F3759DF) - lax.shift_right_logical(bits, 1)
        y = lax.bitcast_convert_type(bits, jnp.float32)
        y = y * (1.5 - 0.5 * d * y * y)
        y = y * (1.5 - 0.5 * d * y * y)
        y = y * (1.5 - 0.5 * d * y * y)
        deg_v[pl.ds(i * 16, 16)] = y
        return carry

    lax.fori_loop(0, NP // 16, _dinv_body, 0, unroll=4)

    def _edge_body(e, carry):
        s = edge_v[0, pl.ds(e * 16, 16)]
        d = edge_v[1, pl.ds(e * 16, 16)]
        ns = plsc.load_gather(deg_v, [s])
        nd = plsc.load_gather(deg_v, [d])
        sl = s - lo
        mask = jnp.logical_and(sl >= 0, sl < BAND)
        sl = jnp.clip(sl, 0, BAND - 1)
        plsc.addupdate_scatter(band_v, [sl, d], ns * nd, mask=mask)
        return carry

    half = (E // 16 + 1) // 2

    @pl.when(cid == 0)
    def _():
        lax.fori_loop(0, half, _edge_body, 0, unroll=4)

    @pl.when(cid == 1)
    def _():
        lax.fori_loop(half, E // 16, _edge_body, 0, unroll=4)

    @pl.when(cid == 0)
    def _():
        def _diag_body(i, carry):
            n = lo + i * 16 + lax.iota(jnp.int32, 16)
            nl = n - lo
            mask = jnp.logical_and(nl < BAND, n < jnp.int32(N))
            nl = jnp.clip(nl, 0, BAND - 1)
            nc = lo + nl
            dv = plsc.load_gather(deg_v, [nc])
            plsc.addupdate_scatter(band_v, [nl, nc], dv * dv, mask=mask)
            return carry

        lax.fori_loop(0, (BAND + 15) // 16, _diag_body, 0)

    pltpu.sync_copy(band_v, at_ref.at[cid, pl.ds(lo, BAND)])


@functools.cache
def _get_build_adj():
    return pl.kernel(
        _sc_build_adj_body,
        out_type=jax.ShapeDtypeStruct((2, NP, NP), jnp.float32),
        mesh=plsc.VectorSubcoreMesh(core_axis_name="c", subcore_axis_name="s"),
        scratch_types=[
            pltpu.VMEM((2, E), jnp.int32),
            pltpu.VMEM((BAND, NP), jnp.float32),
            pltpu.VMEM((NP,), jnp.float32),
        ],
        compiler_params=pltpu.CompilerParams(
            needs_layout_passes=False, skip_device_barrier=True
        ),
    )


def _tc_main_body(
    x_ref, at_ref, wp_ref, wm_ref, bp_ref, bm_ref, sw_ref, out_ref, ab_ref, k_ref, brow_ref
):
    i = pl.program_id(0)

    @pl.when(i == 0)
    def _():
        at16 = (at_ref[0] + at_ref[1]).astype(jnp.bfloat16)
        wm16 = wm_ref[...].astype(jnp.bfloat16)
        ab_ref[:, :NP] = at16
        ab_ref[:, NP:] = jnp.dot(
            wp_ref[0].astype(jnp.bfloat16), wm16, preferred_element_type=jnp.float32
        ).astype(jnp.bfloat16)
        for cp in range(GC):
            wsum = wp_ref[1] * sw_ref[8 + cp * GC]
            for c in range(1, GC):
                wsum = wsum + wp_ref[c + 1] * sw_ref[8 + cp * GC + c]
            q = jnp.dot(
                wsum.astype(jnp.bfloat16), wm16, preferred_element_type=jnp.float32
            )
            k_ref[cp] = jnp.dot(
                at16, q.astype(jnp.bfloat16), preferred_element_type=jnp.float32
            ).astype(jnp.bfloat16)
        bvec = bp_ref[...]
        for c in range(GC):
            bvec = bvec + sw_ref[24 + c] * jnp.sum(wp_ref[c + 1], axis=0, keepdims=True)
        brow_ref[...] = jnp.dot(
            bvec.astype(jnp.bfloat16), wm16, preferred_element_type=jnp.float32
        ) + bm_ref[...]

    x = x_ref[...]
    ga = jnp.dot(x, ab_ref[...], preferred_element_type=jnp.float32)
    g1 = ga[:, :NP]
    acc = ga[:, NP:] + brow_ref[...]
    for c in range(GC):
        h = jnp.maximum(g1 * sw_ref[c] + sw_ref[GC + c], 0.0)
        acc = acc + jnp.dot(
            h.astype(jnp.bfloat16), k_ref[c], preferred_element_type=jnp.float32
        )
    out_ref[...] = acc[:, :N].reshape(BM // 96, 96, N)


def _tc_main(xr, at, wp5, wm, bp, bm, sw):
    rows = xr.shape[0]
    return pl.pallas_call(
        _tc_main_body,
        compiler_params=pltpu.CompilerParams(skip_device_barrier=True),
        grid=(rows // BM,),
        in_specs=[
            pl.BlockSpec((BM, NP), lambda i: (i, 0)),
            pl.BlockSpec((2, NP, NP), lambda i: (0, 0, 0)),
            pl.BlockSpec((1 + GC, NP, NP), lambda i: (0, 0, 0)),
            pl.BlockSpec((NP, NP), lambda i: (0, 0)),
            pl.BlockSpec((1, NP), lambda i: (0, 0)),
            pl.BlockSpec((1, NP), lambda i: (0, 0)),
            pl.BlockSpec(memory_space=pltpu.SMEM),
        ],
        out_specs=pl.BlockSpec((BM // 96, 96, N), lambda i: (i, 0, 0)),
        out_shape=jax.ShapeDtypeStruct((rows // 96, 96, N), jnp.float32),
        scratch_shapes=[
            pltpu.VMEM((NP, 2 * NP), jnp.bfloat16),
            pltpu.VMEM((GC, NP, NP), jnp.bfloat16),
            pltpu.VMEM((1, NP), jnp.float32),
        ],
    )(xr, at, wp5, wm, bp, bm, sw)


def kernel(x_enc, x_mark_enc, x_dec, x_mark_dec, edge_index, W1, b1, W2, b2, Wp, bp, Wm, bm):
    B_, T_, N_ = x_enc.shape
    xr = jnp.pad(x_enc.reshape(B_ * T_, N_), ((0, 0), (0, NP - N))).astype(jnp.bfloat16)
    at = _get_build_adj()(edge_index, jnp.zeros((NP, NP), jnp.float32))
    wp5 = jnp.pad(
        Wp.reshape(N, 1 + GC, N).transpose(1, 0, 2),
        ((0, 0), (0, NP - N), (0, NP - N)),
    )
    wm_p = jnp.pad(Wm, ((0, NP - N), (0, NP - N)))
    bp_p = jnp.pad(bp, (0, NP - N)).reshape(1, NP)
    bm_p = jnp.pad(bm, (0, NP - N)).reshape(1, NP)
    sw = jnp.concatenate([W1.reshape(-1), b1, W2.reshape(-1), b2])
    return _tc_main(xr, at, wp5, wm_p, bp_p, bm_p, sw)

# --- scband reference (transcript-rebuilt; emitter-appended) ---
"""Pipeline reference for scband-model-53601191854858 (READ-ONLY COPY).

The authoritative reference and input builder live on the scoring server;
editing this copy changes nothing except your own understanding.
"""

import jax, jax.numpy as jnp
import numpy as np

N_NODES = 325
N_EDGES = 5200
GCN_OUT = 4
B, T = 32, 96
DEC_LEN = 144


def setup_inputs(seed: int = 0) -> dict:
    key = jax.random.key(seed)
    ks = jax.random.split(key, 14)
    inp = {}
    inp["x_enc"] = jax.random.normal(ks[0], (B, T, N_NODES), dtype=jnp.float32)
    inp["x_mark_enc"] = jax.random.normal(ks[1], (B, T, 4), dtype=jnp.float32)
    inp["x_dec"] = jax.random.normal(ks[2], (B, DEC_LEN, N_NODES), dtype=jnp.float32)
    inp["x_mark_dec"] = jax.random.normal(ks[3], (B, DEC_LEN, 4), dtype=jnp.float32)
    inp["edge_index"] = jax.random.randint(ks[4], (2, N_EDGES), 0, N_NODES, dtype=jnp.int32)
    # GCNSpatial params: conv1 (1 -> GCN_OUT), conv2 (GCN_OUT -> GCN_OUT)
    inp["W1"] = jax.random.normal(ks[5], (1, GCN_OUT), dtype=jnp.float32) * (1.0 / np.sqrt(1.0))
    inp["b1"] = jnp.zeros((GCN_OUT,), dtype=jnp.float32)
    inp["W2"] = jax.random.normal(ks[6], (GCN_OUT, GCN_OUT), dtype=jnp.float32) * (1.0 / np.sqrt(GCN_OUT))
    inp["b2"] = jnp.zeros((GCN_OUT,), dtype=jnp.float32)
    # flatten_gcn_output: Linear(N*(1+GCN_OUT) -> N)
    fan_in = N_NODES * (1 + GCN_OUT)
    inp["Wp"] = jax.random.normal(ks[7], (fan_in, N_NODES), dtype=jnp.float32) * (1.0 / np.sqrt(fan_in))
    inp["bp"] = jnp.zeros((N_NODES,), dtype=jnp.float32)
    # Mamba stand-in head: Linear(enc_in -> c_out)
    inp["Wm"] = jax.random.normal(ks[8], (N_NODES, N_NODES), dtype=jnp.float32) * (1.0 / np.sqrt(N_NODES))
    inp["bm"] = jnp.zeros((N_NODES,), dtype=jnp.float32)
    return inp


def gcn_conv(x, W, b, src, dst, n):
    # x: [BT, n, C_in]; symmetric-normalized GCN with self-loops (PyG GCNConv math)
    deg = jnp.ones((n,), dtype=jnp.float32).at[dst].add(1.0)
    dinv = jax.lax.rsqrt(deg)
    norm = dinv[src] * dinv[dst]
    msg = jnp.take(x, src, axis=1) * norm[None, :, None]
    agg = jnp.zeros_like(x[:, :1, :]).repeat(n, axis=1) * 0.0
    agg = jnp.zeros((x.shape[0], n, x.shape[2]), dtype=x.dtype).at[:, dst, :].add(msg)
    agg = agg + x * (dinv * dinv)[None, :, None]  # self-loop term, norm = 1/deg
    return agg @ W + b


def reference(x_enc, x_mark_enc, x_dec, x_mark_dec, edge_index, W1, b1, W2, b2, Wp, bp, Wm, bm):
    B_, T_, N_ = x_enc.shape
    src = edge_index[0]
    dst = edge_index[1]
    x = x_enc.reshape(B_ * T_, N_, 1)
    # GCNSpatial: conv1 -> relu -> conv2 (vectorized over the B*T python loop)
    h = jax.nn.relu(gcn_conv(x, W1, b1, src, dst, N_))
    h = gcn_conv(h, W2, b2, src, dst, N_)
    gcn_output = h.reshape(B_, T_, N_, GCN_OUT)
    x_combined = jnp.concatenate([x_enc[..., None], gcn_output], axis=-1).reshape(B_, T_, N_ * (1 + GCN_OUT))
    x_projected = x_combined @ Wp + bp
    # MambaModel stand-in: pointwise linear head enc_in -> c_out
    out = x_projected @ Wm + bm
    return out

if __name__ == "__main__":
    import jax
    _d = setup_inputs()
    print(jax.jit(kernel)(*tuple(_d.values())))

</pallas_src>

<mosaic_0001>
#map = affine_map<(d0, d1) -> (0, 0)>
#map1 = affine_map<(d0, d1) -> (0, 0, 0)>
module attributes {stable_mosaic.version = 14 : i64} {
  func.func @_sc_build_adj_body(%arg0: i32, %arg1: i32, %arg2: memref<2x5200xi32, #tpu.memory_space<hbm>>, %arg3: memref<384x384xf32, #tpu.memory_space<hbm>>, %arg4: memref<2x384x384xf32, #tpu.memory_space<hbm>>, %arg5: memref<2x5200xi32, #tpu.memory_space<vmem>>, %arg6: memref<24x384xf32, #tpu.memory_space<vmem>>, %arg7: memref<384xf32, #tpu.memory_space<vmem>>) attributes {dimension_semantics = [#tpu.dimension_semantics<core_parallel>, #tpu.dimension_semantics<subcore_parallel>], iteration_bounds = array<i64: 2, 16>, scalar_prefetch = 0 : i64, scratch_operands = 3 : i64, tpu.core_type = #tpu.core_type<sc_vector_subcore>, window_params = [{transform_indices = #map}, {transform_indices = #map}, {transform_indices = #map1}]} {
    %mul3A = arith.constant 24 : i32
    %mul3A_0 = arith.muli %arg1, %mul3A : i32
    "tpu.region"() ({
      %run_scoped3A_32 = tpu.sem_alloc : memref<!tpu.dma_semaphore, #tpu.memory_space<semaphore_mem>>
      tpu.enqueue_dma source(%arg2 : memref<2x5200xi32, #tpu.memory_space<hbm>>) target(%arg5 : memref<2x5200xi32, #tpu.memory_space<vmem>>) target_semaphore(%run_scoped3A_32 : memref<!tpu.dma_semaphore, #tpu.memory_space<semaphore_mem>>)
      tpu.wait_dma2 semaphore(%run_scoped3A_32 : memref<!tpu.dma_semaphore, #tpu.memory_space<semaphore_mem>>) src(%arg2 : memref<2x5200xi32, #tpu.memory_space<hbm>>) dst(%arg5 : memref<2x5200xi32, #tpu.memory_space<vmem>>)
      tpu.yield
    }) : () -> ()
    "tpu.region"() ({
      %run_scoped3A_32 = tpu.sem_alloc : memref<!tpu.dma_semaphore, #tpu.memory_space<semaphore_mem>>
      %dma_start3A = arith.constant 0 : i32
      %dma_start3A_33 = arith.constant 0 : i32
      %dma_start3A_34 = tpu.memref_slice %arg3[%dma_start3A, %dma_start3A_33] : memref<384x384xf32, #tpu.memory_space<hbm>> -> memref<24x384xf32, #tpu.memory_space<hbm>>
      %dma_start3A_35 = arith.constant 0 : i32
      %dma_start3A_36 = arith.constant 0 : i32
      %dma_start3A_37 = tpu.memref_slice %arg3[%dma_start3A_35, %dma_start3A_36] : memref<384x384xf32, #tpu.memory_space<hbm>> -> memref<24x384xf32, #tpu.memory_space<hbm>>
      tpu.enqueue_dma source(%dma_start3A_37 : memref<24x384xf32, #tpu.memory_space<hbm>>) target(%arg6 : memref<24x384xf32, #tpu.memory_space<vmem>>) target_semaphore(%run_scoped3A_32 : memref<!tpu.dma_semaphore, #tpu.memory_space<semaphore_mem>>)
      %dma_wait3A = arith.constant 0 : i32
      %dma_wait3A_38 = arith.constant 0 : i32
      %dma_wait3A_39 = tpu.memref_slice %arg3[%dma_wait3A, %dma_wait3A_38] : memref<384x384xf32, #tpu.memory_space<hbm>> -> memref<24x384xf32, #tpu.memory_space<hbm>>
      %dma_wait3A_40 = arith.constant 0 : i32
      %dma_wait3A_41 = arith.constant 0 : i32
      %dma_wait3A_42 = tpu.memref_slice %arg3[%dma_wait3A_40, %dma_wait3A_41] : memref<384x384xf32, #tpu.memory_space<hbm>> -> memref<24x384xf32, #tpu.memory_space<hbm>>
      tpu.wait_dma2 semaphore(%run_scoped3A_32 : memref<!tpu.dma_semaphore, #tpu.memory_space<semaphore_mem>>) src(%dma_wait3A_42 : memref<24x384xf32, #tpu.memory_space<hbm>>) dst(%arg6 : memref<24x384xf32, #tpu.memory_space<vmem>>)
      tpu.yield
    }) : () -> ()
    %run_scoped3A = arith.constant 0 : i32
    "tpu.region"() ({
      %run_scoped3A_32 = tpu.sem_alloc : memref<!tpu.dma_semaphore, #tpu.memory_space<semaphore_mem>>
      %dma_start3A = arith.constant 0 : i32
      %dma_start3A_33 = tpu.memref_slice %arg3[%run_scoped3A, %dma_start3A] : memref<384x384xf32, #tpu.memory_space<hbm>> -> memref<1x384xf32, #tpu.memory_space<hbm>>
      %dma_start3A_34 = tpu.memref_squeeze %dma_start3A_33 : memref<1x384xf32, #tpu.memory_space<hbm>> -> memref<384xf32, #tpu.memory_space<hbm>>
      %dma_start3A_35 = arith.constant 0 : i32
      %dma_start3A_36 = tpu.memref_slice %arg3[%run_scoped3A, %dma_start3A_35] : memref<384x384xf32, #tpu.memory_space<hbm>> -> memref<1x384xf32, #tpu.memory_space<hbm>>
      %dma_start3A_37 = tpu.memref_squeeze %dma_start3A_36 : memref<1x384xf32, #tpu.memory_space<hbm>> -> memref<384xf32, #tpu.memory_space<hbm>>
      tpu.enqueue_dma source(%dma_start3A_37 : memref<384xf32, #tpu.memory_space<hbm>>) target(%arg7 : memref<384xf32, #tpu.memory_space<vmem>>) target_semaphore(%run_scoped3A_32 : memref<!tpu.dma_semaphore, #tpu.memory_space<semaphore_mem>>)
      %dma_wait3A = arith.constant 0 : i32
      %dma_wait3A_38 = tpu.memref_slice %arg3[%run_scoped3A, %dma_wait3A] : memref<384x384xf32, #tpu.memory_space<hbm>> -> memref<1x384xf32, #tpu.memory_space<hbm>>
      %dma_wait3A_39 = tpu.memref_squeeze %dma_wait3A_38 : memref<1x384xf32, #tpu.memory_space<hbm>> -> memref<384xf32, #tpu.memory_space<hbm>>
      %dma_wait3A_40 = arith.constant 0 : i32
      %dma_wait3A_41 = tpu.memref_slice %arg3[%run_scoped3A, %dma_wait3A_40] : memref<384x384xf32, #tpu.memory_space<hbm>> -> memref<1x384xf32, #tpu.memory_space<hbm>>
      %dma_wait3A_42 = tpu.memref_squeeze %dma_wait3A_41 : memref<1x384xf32, #tpu.memory_space<hbm>> -> memref<384xf32, #tpu.memory_space<hbm>>
      tpu.wait_dma2 semaphore(%run_scoped3A_32 : memref<!tpu.dma_semaphore, #tpu.memory_space<semaphore_mem>>) src(%dma_wait3A_42 : memref<384xf32, #tpu.memory_space<hbm>>) dst(%arg7 : memref<384xf32, #tpu.memory_space<vmem>>)
      tpu.yield
    }) : () -> ()
    %broadcast_in_dim3A = arith.constant 1.000000e+00 : f32
    %broadcast_in_dim3A_1 = vector.broadcast %broadcast_in_dim3A : f32 to vector<16xf32>
    %scan3A = arith.constant 0 : i32
    %scan3A_2 = arith.constant 0 : i32
    %scan3A_3 = arith.constant 324 : i32
    %scan3A_4 = arith.addi %scan3A_2, %scan3A_3 : i32
    %scan3A_5 = arith.constant 4 : i32
    scf.for %scan3A_32 = %scan3A_2 to %scan3A_4 step %scan3A_5  : i32 {
      %mul3A_33 = arith.constant 16 : i32
      %mul3A_34 = arith.muli %scan3A_32, %mul3A_33 : i32
      %get3A_35 = arith.constant 1 : i32
      %get3A_36 = arith.index_cast %get3A_35 : i32 to index
      %get3A_37 = arith.index_cast %mul3A_34 : i32 to index
      %get3A_38 = tpu.vector_load %arg5[%get3A_36, %get3A_37] {strides = array<i32>} : memref<2x5200xi32, #tpu.memory_space<vmem>>, vector<16xi32>,
      tpu.vector_store_idx %arg7[%get3A_38], %broadcast_in_dim3A_1 {add = true} : memref<384xf32, #tpu.memory_space<vmem>>[vector<16xi32>], vector<16xf32>,
      %scan3A_39 = arith.constant 1 : i32
      %scan3A_40 = arith.addi %scan3A_32, %scan3A_39 : i32
      %mul3A_41 = arith.constant 16 : i32
      %mul3A_42 = arith.muli %scan3A_40, %mul3A_41 : i32
      %get3A_43 = arith.constant 1 : i32
      %get3A_44 = arith.index_cast %get3A_43 : i32 to index
      %get3A_45 = arith.index_cast %mul3A_42 : i32 to index
      %get3A_46 = tpu.vector_load %arg5[%get3A_44, %get3A_45] {strides = array<i32>} : memref<2x5200xi32, #tpu.memory_space<vmem>>, vector<16xi32>,
      tpu.vector_store_idx %arg7[%get3A_46], %broadcast_in_dim3A_1 {add = true} : memref<384xf32, #tpu.memory_space<vmem>>[vector<16xi32>], vector<16xf32>,
      %scan3A_47 = arith.constant 2 : i32
      %scan3A_48 = arith.addi %scan3A_32, %scan3A_47 : i32
      %mul3A_49 = arith.constant 16 : i32
      %mul3A_50 = arith.muli %scan3A_48, %mul3A_49 : i32
      %get3A_51 = arith.constant 1 : i32
      %get3A_52 = arith.index_cast %get3A_51 : i32 to index
      %get3A_53 = arith.index_cast %mul3A_50 : i32 to index
      %get3A_54 = tpu.vector_load %arg5[%get3A_52, %get3A_53] {strides = array<i32>} : memref<2x5200xi32, #tpu.memory_space<vmem>>, vector<16xi32>,
      tpu.vector_store_idx %arg7[%get3A_54], %broadcast_in_dim3A_1 {add = true} : memref<384xf32, #tpu.memory_space<vmem>>[vector<16xi32>], vector<16xf32>,
      %scan3A_55 = arith.constant 3 : i32
      %scan3A_56 = arith.addi %scan3A_32, %scan3A_55 : i32
      %mul3A_57 = arith.constant 16 : i32
      %mul3A_58 = arith.muli %scan3A_56, %mul3A_57 : i32
      %get3A_59 = arith.constant 1 : i32
      %get3A_60 = arith.index_cast %get3A_59 : i32 to index
      %get3A_61 = arith.index_cast %mul3A_58 : i32 to index
      %get3A_62 = tpu.vector_load %arg5[%get3A_60, %get3A_61] {strides = array<i32>} : memref<2x5200xi32, #tpu.memory_space<vmem>>, vector<16xi32>,
      tpu.vector_store_idx %arg7[%get3A_62], %broadcast_in_dim3A_1 {add = true} : memref<384xf32, #tpu.memory_space<vmem>>[vector<16xi32>], vector<16xf32>,
    }
    %scan3A_6 = arith.constant 324 : i32
    %scan3A_7 = arith.addi %scan3A_2, %scan3A_6 : i32
    %mul3A_8 = arith.constant 16 : i32
    %mul3A_9 = arith.muli %scan3A_7, %mul3A_8 : i32
    %get3A = arith.constant 1 : i32
    %get3A_10 = arith.index_cast %get3A : i32 to index
    %get3A_11 = arith.index_cast %mul3A_9 : i32 to index
    %get3A_12 = tpu.vector_load %arg5[%get3A_10, %get3A_11] {strides = array<i32>} : memref<2x5200xi32, #tpu.memory_space<vmem>>, vector<16xi32>,
    tpu.vector_store_idx %arg7[%get3A_12], %broadcast_in_dim3A_1 {add = true} : memref<384xf32, #tpu.memory_space<vmem>>[vector<16xi32>], vector<16xf32>,
    %scan3A_13 = arith.constant 325 : i32
    %scan3A_14 = arith.constant 0 : i32
    %scan3A_15 = arith.constant 0 : i32
    %scan3A_16 = arith.constant 24 : i32
    %scan3A_17 = arith.addi %scan3A_15, %scan3A_16 : i32
    %scan3A_18 = arith.constant 4 : i32
    scf.for %scan3A_32 = %scan3A_15 to %scan3A_17 step %scan3A_18  : i32 {
      %mul3A_33 = arith.constant 16 : i32
      %mul3A_34 = arith.muli %scan3A_32, %mul3A_33 : i32
      %get3A_35 = arith.index_cast %mul3A_34 : i32 to index
      %get3A_36 = tpu.vector_load %arg7[%get3A_35] {strides = array<i32>} : memref<384xf32, #tpu.memory_space<vmem>>, vector<16xf32>,
      %add3A = arith.constant 1.000000e+00 : f32
      %add3A_37 = vector.broadcast %add3A : f32 to vector<16xf32>
      %add3A_38 = arith.addf %get3A_36, %add3A_37 : vector<16xf32>
      %bitcast_convert_type3A = tpu.bitcast %add3A_38 : vector<16xf32> -> vector<16xi32>
      %shift_right_logical3A = arith.constant 1 : i32
      %shift_right_logical3A_39 = vector.broadcast %shift_right_logical3A : i32 to vector<16xi32>
      %shift_right_logical3A_40 = arith.shrui %bitcast_convert_type3A, %shift_right_logical3A_39 : vector<16xi32>
      %sub3A = arith.constant 1597463007 : i32
      %sub3A_41 = vector.broadcast %sub3A : i32 to vector<16xi32>
      %sub3A_42 = arith.subi %sub3A_41, %shift_right_logical3A_40 : vector<16xi32>
      %bitcast_convert_type3A_43 = tpu.bitcast %sub3A_42 : vector<16xi32> -> vector<16xf32>
      %mul3A_44 = arith.constant 5.000000e-01 : f32
      %mul3A_45 = vector.broadcast %mul3A_44 : f32 to vector<16xf32>
      %mul3A_46 = arith.mulf %mul3A_45, %add3A_38 : vector<16xf32>
      %mul3A_47 = arith.mulf %mul3A_46, %bitcast_convert_type3A_43 : vector<16xf32>
      %mul3A_48 = arith.mulf %mul3A_47, %bitcast_convert_type3A_43 : vector<16xf32>
      %sub3A_49 = arith.constant 1.500000e+00 : f32
      %sub3A_50 = vector.broadcast %sub3A_49 : f32 to vector<16xf32>
      %sub3A_51 = arith.subf %sub3A_50, %mul3A_48 : vector<16xf32>
      %mul3A_52 = arith.mulf %bitcast_convert_type3A_43, %sub3A_51 : vector<16xf32>
      %mul3A_53 = arith.constant 5.000000e-01 : f32
      %mul3A_54 = vector.broadcast %mul3A_53 : f32 to vector<16xf32>
      %mul3A_55 = arith.mulf %mul3A_54, %add3A_38 : vector<16xf32>
      %mul3A_56 = arith.mulf %mul3A_55, %mul3A_52 : vector<16xf32>
      %mul3A_57 = arith.mulf %mul3A_56, %mul3A_52 : vector<16xf32>
      %sub3A_58 = arith.constant 1.500000e+00 : f32
      %sub3A_59 = vector.broadcast %sub3A_58 : f32 to vector<16xf32>
      %sub3A_60 = arith.subf %sub3A_59, %mul3A_57 : vector<16xf32>
      %mul3A_61 = arith.mulf %mul3A_52, %sub3A_60 : vector<16xf32>
      %mul3A_62 = arith.constant 5.000000e-01 : f32
      %mul3A_63 = vector.broadcast %mul3A_62 : f32 to vector<16xf32>
      %mul3A_64 = arith.mulf %mul3A_63, %add3A_38 : vector<16xf32>
      %mul3A_65 = arith.mulf %mul3A_64, %mul3A_61 : vector<16xf32>
      %mul3A_66 = arith.mulf %mul3A_65, %mul3A_61 : vector<16xf32>
      %sub3A_67 = arith.constant 1.500000e+00 : f32
      %sub3A_68 = vector.broadcast %sub3A_67 : f32 to vector<16xf32>
      %sub3A_69 = arith.subf %sub3A_68, %mul3A_66 : vector<16xf32>
      %mul3A_70 = arith.mulf %mul3A_61, %sub3A_69 : vector<16xf32>
      %mul3A_71 = arith.constant 16 : i32
      %mul3A_72 = arith.muli %scan3A_32, %mul3A_71 : i32
      %swap3A = arith.index_cast %mul3A_72 : i32 to index
      %swap3A_73 = tpu.vector_load %arg7[%swap3A] {strides = array<i32>} : memref<384xf32, #tpu.memory_space<vmem>>, vector<16xf32>,
      tpu.vector_store %arg7[%swap3A], %mul3A_70 {strides = array<i32>} : memref<384xf32, #tpu.memory_space<vmem>>, vector<16xf32>,
      %scan3A_74 = arith.constant 1 : i32
      %scan3A_75 = arith.addi %scan3A_32, %scan3A_74 : i32
      %mul3A_76 = arith.constant 16 : i32
      %mul3A_77 = arith.muli %scan3A_75, %mul3A_76 : i32
      %get3A_78 = arith.index_cast %mul3A_77 : i32 to index
      %get3A_79 = tpu.vector_load %arg7[%get3A_78] {strides = array<i32>} : memref<384xf32, #tpu.memory_space<vmem>>, vector<16xf32>,
      %add3A_80 = arith.constant 1.000000e+00 : f32
      %add3A_81 = vector.broadcast %add3A_80 : f32 to vector<16xf32>
      %add3A_82 = arith.addf %get3A_79, %add3A_81 : vector<16xf32>
      %bitcast_convert_type3A_83 = tpu.bitcast %add3A_82 : vector<16xf32> -> vector<16xi32>
      %shift_right_logical3A_84 = arith.constant 1 : i32
      %shift_right_logical3A_85 = vector.broadcast %shift_right_logical3A_84 : i32 to vector<16xi32>
      %shift_right_logical3A_86 = arith.shrui %bitcast_convert_type3A_83, %shift_right_logical3A_85 : vector<16xi32>
      %sub3A_87 = arith.constant 1597463007 : i32
      %sub3A_88 = vector.broadcast %sub3A_87 : i32 to vector<16xi32>
      %sub3A_89 = arith.subi %sub3A_88, %shift_right_logical3A_86 : vector<16xi32>
      %bitcast_convert_type3A_90 = tpu.bitcast %sub3A_89 : vector<16xi32> -> vector<16xf32>
      %mul3A_91 = arith.constant 5.000000e-01 : f32
      %mul3A_92 = vector.broadcast %mul3A_91 : f32 to vector<16xf32>
      %mul3A_93 = arith.mulf %mul3A_92, %add3A_82 : vector<16xf32>
      %mul3A_94 = arith.mulf %mul3A_93, %bitcast_convert_type3A_90 : vector<16xf32>
      %mul3A_95 = arith.mulf %mul3A_94, %bitcast_convert_type3A_90 : vector<16xf32>
      %sub3A_96 = arith.constant 1.500000e+00 : f32
      %sub3A_97 = vector.broadcast %sub3A_96 : f32 to vector<16xf32>
      %sub3A_98 = arith.subf %sub3A_97, %mul3A_95 : vector<16xf32>
      %mul3A_99 = arith.mulf %bitcast_convert_type3A_90, %sub3A_98 : vector<16xf32>
      %mul3A_100 = arith.constant 5.000000e-01 : f32
      %mul3A_101 = vector.broadcast %mul3A_100 : f32 to vector<16xf32>
      %mul3A_102 = arith.mulf %mul3A_101, %add3A_82 : vector<16xf32>
      %mul3A_103 = arith.mulf %mul3A_102, %mul3A_99 : vector<16xf32>
      %mul3A_104 = arith.mulf %mul3A_103, %mul3A_99 : vector<16xf32>
      %sub3A_105 = arith.constant 1.500000e+00 : f32
      %sub3A_106 = vector.broadcast %sub3A_105 : f32 to vector<16xf32>
      %sub3A_107 = arith.subf %sub3A_106, %mul3A_104 : vector<16xf32>
      %mul3A_108 = arith.mulf %mul3A_99, %sub3A_107 : vector<16xf32>
      %mul3A_109 = arith.constant 5.000000e-01 : f32
      %mul3A_110 = vector.broadcast %mul3A_109 : f32 to vector<16xf32>
      %mul3A_111 = arith.mulf %mul3A_110, %add3A_82 : vector<16xf32>
      %mul3A_112 = arith.mulf %mul3A_111, %mul3A_108 : vector<16xf32>
      %mul3A_113 = arith.mulf %mul3A_112, %mul3A_108 : vector<16xf32>
      %sub3A_114 = arith.constant 1.500000e+00 : f32
      %sub3A_115 = vector.broadcast %sub3A_114 : f32 to vector<16xf32>
      %sub3A_116 = arith.subf %sub3A_115, %mul3A_113 : vector<16xf32>
      %mul3A_117 = arith.mulf %mul3A_108, %sub3A_116 : vector<16xf32>
      %mul3A_118 = arith.constant 16 : i32
      %mul3A_119 = arith.muli %scan3A_75, %mul3A_118 : i32
      %swap3A_120 = arith.index_cast %mul3A_119 : i32 to index
      %swap3A_121 = tpu.vector_load %arg7[%swap3A_120] {strides = array<i32>} : memref<384xf32, #tpu.memory_space<vmem>>, vector<16xf32>,
      tpu.vector_store %arg7[%swap3A_120], %mul3A_117 {strides = array<i32>} : memref<384xf32, #tpu.memory_space<vmem>>, vector<16xf32>,
      %scan3A_122 = arith.constant 2 : i32
      %scan3A_123 = arith.addi %scan3A_32, %scan3A_122 : i32
      %mul3A_124 = arith.constant 16 : i32
      %mul3A_125 = arith.muli %scan3A_123, %mul3A_124 : i32
      %get3A_126 = arith.index_cast %mul3A_125 : i32 to index
      %get3A_127 = tpu.vector_load %arg7[%get3A_126] {strides = array<i32>} : memref<384xf32, #tpu.memory_space<vmem>>, vector<16xf32>,
      %add3A_128 = arith.constant 1.000000e+00 : f32
      %add3A_129 = vector.broadcast %add3A_128 : f32 to vector<16xf32>
      %add3A_130 = arith.addf %get3A_127, %add3A_129 : vector<16xf32>
      %bitcast_convert_type3A_131 = tpu.bitcast %add3A_130 : vector<16xf32> -> vector<16xi32>
      %shift_right_logical3A_132 = arith.constant 1 : i32
      %shift_right_logical3A_133 = vector.broadcast %shift_right_logical3A_132 : i32 to vector<16xi32>
      %shift_right_logical3A_134 = arith.shrui %bitcast_convert_type3A_131, %shift_right_logical3A_133 : vector<16xi32>
      %sub3A_135 = arith.constant 1597463007 : i32
      %sub3A_136 = vector.broadcast %sub3A_135 : i32 to vector<16xi32>
      %sub3A_137 = arith.subi %sub3A_136, %shift_right_logical3A_134 : vector<16xi32>
      %bitcast_convert_type3A_138 = tpu.bitcast %sub3A_137 : vector<16xi32> -> vector<16xf32>
      %mul3A_139 = arith.constant 5.000000e-01 : f32
      %mul3A_140 = vector.broadcast %mul3A_139 : f32 to vector<16xf32>
      %mul3A_141 = arith.mulf %mul3A_140, %add3A_130 : vector<16xf32>
      %mul3A_142 = arith.mulf %mul3A_141, %bitcast_convert_type3A_138 : vector<16xf32>
      %mul3A_143 = arith.mulf %mul3A_142, %bitcast_convert_type3A_138 : vector<16xf32>
      %sub3A_144 = arith.constant 1.500000e+00 : f32
      %sub3A_145 = vector.broadcast %sub3A_144 : f32 to vector<16xf32>
      %sub3A_146 = arith.subf %sub3A_145, %mul3A_143 : vector<16xf32>
      %mul3A_147 = arith.mulf %bitcast_convert_type3A_138, %sub3A_146 : vector<16xf32>
      %mul3A_148 = arith.constant 5.000000e-01 : f32
      %mul3A_149 = vector.broadcast %mul3A_148 : f32 to vector<16xf32>
      %mul3A_150 = arith.mulf %mul3A_149, %add3A_130 : vector<16xf32>
      %mul3A_151 = arith.mulf %mul3A_150, %mul3A_147 : vector<16xf32>
      %mul3A_152 = arith.mulf %mul3A_151, %mul3A_147 : vector<16xf32>
      %sub3A_153 = arith.constant 1.500000e+00 : f32
      %sub3A_154 = vector.broadcast %sub3A_153 : f32 to vector<16xf32>
      %sub3A_155 = arith.subf %sub3A_154, %mul3A_152 : vector<16xf32>
      %mul3A_156 = arith.mulf %mul3A_147, %sub3A_155 : vector<16xf32>
      %mul3A_157 = arith.constant 5.000000e-01 : f32
      %mul3A_158 = vector.broadcast %mul3A_157 : f32 to vector<16xf32>
      %mul3A_159 = arith.mulf %mul3A_158, %add3A_130 : vector<16xf32>
      %mul3A_160 = arith.mulf %mul3A_159, %mul3A_156 : vector<16xf32>
      %mul3A_161 = arith.mulf %mul3A_160, %mul3A_156 : vector<16xf32>
      %sub3A_162 = arith.constant 1.500000e+00 : f32
      %sub3A_163 = vector.broadcast %sub3A_162 : f32 to vector<16xf32>
      %sub3A_164 = arith.subf %sub3A_163, %mul3A_161 : vector<16xf32>
      %mul3A_165 = arith.mulf %mul3A_156, %sub3A_164 : vector<16xf32>
      %mul3A_166 = arith.constant 16 : i32
      %mul3A_167 = arith.muli %scan3A_123, %mul3A_166 : i32
      %swap3A_168 = arith.index_cast %mul3A_167 : i32 to index
      %swap3A_169 = tpu.vector_load %arg7[%swap3A_168] {strides = array<i32>} : memref<384xf32, #tpu.memory_space<vmem>>, vector<16xf32>,
      tpu.vector_store %arg7[%swap3A_168], %mul3A_165 {strides = array<i32>} : memref<384xf32, #tpu.memory_space<vmem>>, vector<16xf32>,
      %scan3A_170 = arith.constant 3 : i32
      %scan3A_171 = arith.addi %scan3A_32, %scan3A_170 : i32
      %mul3A_172 = arith.constant 16 : i32
      %mul3A_173 = arith.muli %scan3A_171, %mul3A_172 : i32
      %get3A_174 = arith.index_cast %mul3A_173 : i32 to index
      %get3A_175 = tpu.vector_load %arg7[%get3A_174] {strides = array<i32>} : memref<384xf32, #tpu.memory_space<vmem>>, vector<16xf32>,
      %add3A_176 = arith.constant 1.000000e+00 : f32
      %add3A_177 = vector.broadcast %add3A_176 : f32 to vector<16xf32>
      %add3A_178 = arith.addf %get3A_175, %add3A_177 : vector<16xf32>
      %bitcast_convert_type3A_179 = tpu.bitcast %add3A_178 : vector<16xf32> -> vector<16xi32>
      %shift_right_logical3A_180 = arith.constant 1 : i32
      %shift_right_logical3A_181 = vector.broadcast %shift_right_logical3A_180 : i32 to vector<16xi32>
      %shift_right_logical3A_182 = arith.shrui %bitcast_convert_type3A_179, %shift_right_logical3A_181 : vector<16xi32>
      %sub3A_183 = arith.constant 1597463007 : i32
      %sub3A_184 = vector.broadcast %sub3A_183 : i32 to vector<16xi32>
      %sub3A_185 = arith.subi %sub3A_184, %shift_right_logical3A_182 : vector<16xi32>
      %bitcast_convert_type3A_186 = tpu.bitcast %sub3A_185 : vector<16xi32> -> vector<16xf32>
      %mul3A_187 = arith.constant 5.000000e-01 : f32
      %mul3A_188 = vector.broadcast %mul3A_187 : f32 to vector<16xf32>
      %mul3A_189 = arith.mulf %mul3A_188, %add3A_178 : vector<16xf32>
      %mul3A_190 = arith.mulf %mul3A_189, %bitcast_convert_type3A_186 : vector<16xf32>
      %mul3A_191 = arith.mulf %mul3A_190, %bitcast_convert_type3A_186 : vector<16xf32>
      %sub3A_192 = arith.constant 1.500000e+00 : f32
      %sub3A_193 = vector.broadcast %sub3A_192 : f32 to vector<16xf32>
      %sub3A_194 = arith.subf %sub3A_193, %mul3A_191 : vector<16xf32>
      %mul3A_195 = arith.mulf %bitcast_convert_type3A_186, %sub3A_194 : vector<16xf32>
      %mul3A_196 = arith.constant 5.000000e-01 : f32
      %mul3A_197 = vector.broadcast %mul3A_196 : f32 to vector<16xf32>
      %mul3A_198 = arith.mulf %mul3A_197, %add3A_178 : vector<16xf32>
      %mul3A_199 = arith.mulf %mul3A_198, %mul3A_195 : vector<16xf32>
      %mul3A_200 = arith.mulf %mul3A_199, %mul3A_195 : vector<16xf32>
      %sub3A_201 = arith.constant 1.500000e+00 : f32
      %sub3A_202 = vector.broadcast %sub3A_201 : f32 to vector<16xf32>
      %sub3A_203 = arith.subf %sub3A_202, %mul3A_200 : vector<16xf32>
      %mul3A_204 = arith.mulf %mul3A_195, %sub3A_203 : vector<16xf32>
      %mul3A_205 = arith.constant 5.000000e-01 : f32
      %mul3A_206 = vector.broadcast %mul3A_205 : f32 to vector<16xf32>
      %mul3A_207 = arith.mulf %mul3A_206, %add3A_178 : vector<16xf32>
      %mul3A_208 = arith.mulf %mul3A_207, %mul3A_204 : vector<16xf32>
      %mul3A_209 = arith.mulf %mul3A_208, %mul3A_204 : vector<16xf32>
      %sub3A_210 = arith.constant 1.500000e+00 : f32
      %sub3A_211 = vector.broadcast %sub3A_210 : f32 to vector<16xf32>
      %sub3A_212 = arith.subf %sub3A_211, %mul3A_209 : vector<16xf32>
      %mul3A_213 = arith.mulf %mul3A_204, %sub3A_212 : vector<16xf32>
      %mul3A_214 = arith.constant 16 : i32
      %mul3A_215 = arith.muli %scan3A_171, %mul3A_214 : i32
      %swap3A_216 = arith.index_cast %mul3A_215 : i32 to index
      %swap3A_217 = tpu.vector_load %arg7[%swap3A_216] {strides = array<i32>} : memref<384xf32, #tpu.memory_space<vmem>>, vector<16xf32>,
      tpu.vector_store %arg7[%swap3A_216], %mul3A_213 {strides = array<i32>} : memref<384xf32, #tpu.memory_space<vmem>>, vector<16xf32>,
    }
    %scan3A_19 = arith.constant 24 : i32
    %eq3A = arith.constant 0 : i32
    %eq3A_20 = arith.cmpi eq, %arg0, %eq3A : i32
    %convert_element_type3A = arith.extui %eq3A_20 : i1 to i32
    %cond3A = arith.constant 0 : i32
    %cond3A_21 = arith.cmpi ne, %convert_element_type3A, %cond3A : i32
    scf.if %cond3A_21 {
      %scan3A_32 = arith.constant 0 : i32
      %scan3A_33 = arith.constant 0 : i32
      %scan3A_34 = arith.constant 160 : i32
      %scan3A_35 = arith.addi %scan3A_33, %scan3A_34 : i32
      %scan3A_36 = arith.constant 4 : i32
      scf.for %scan3A_126 = %scan3A_33 to %scan3A_35 step %scan3A_36  : i32 {
        %mul3A_127 = arith.constant 16 : i32
        %mul3A_128 = arith.muli %scan3A_126, %mul3A_127 : i32
        %get3A_129 = arith.constant 0 : i32
        %get3A_130 = arith.index_cast %get3A_129 : i32 to index
        %get3A_131 = arith.index_cast %mul3A_128 : i32 to index
        %get3A_132 = tpu.vector_load %arg5[%get3A_130, %get3A_131] {strides = array<i32>} : memref<2x5200xi32, #tpu.memory_space<vmem>>, vector<16xi32>,
        %mul3A_133 = arith.constant 16 : i32
        %mul3A_134 = arith.muli %scan3A_126, %mul3A_133 : i32
        %get3A_135 = arith.constant 1 : i32
        %get3A_136 = arith.index_cast %get3A_135 : i32 to index
        %get3A_137 = arith.index_cast %mul3A_134 : i32 to index
        %get3A_138 = tpu.vector_load %arg5[%get3A_136, %get3A_137] {strides = array<i32>} : memref<2x5200xi32, #tpu.memory_space<vmem>>, vector<16xi32>,
        %gather3A_139 = tpu.vector_load_idx %arg7[%get3A_132] : memref<384xf32, #tpu.memory_space<vmem>>[vector<16xi32>], vector<16xf32>,
        %gather3A_140 = tpu.vector_load_idx %arg7[%get3A_138] : memref<384xf32, #tpu.memory_space<vmem>>[vector<16xi32>], vector<16xf32>,
        %sub3A_141 = vector.broadcast %mul3A_0 : i32 to vector<16xi32>
        %sub3A_142 = arith.subi %get3A_132, %sub3A_141 : vector<16xi32>
        %ge3A_143 = arith.constant 0 : i32
        %ge3A_144 = vector.broadcast %ge3A_143 : i32 to vector<16xi32>
        %ge3A_145 = arith.cmpi sge, %sub3A_142, %ge3A_144 : vector<16xi32>
        %lt3A_146 = arith.constant 24 : i32
        %lt3A_147 = vector.broadcast %lt3A_146 : i32 to vector<16xi32>
        %lt3A_148 = arith.cmpi slt, %sub3A_142, %lt3A_147 : vector<16xi32>
        %and3A_149 = arith.andi %ge3A_145, %lt3A_148 : vector<16xi1>
        %jit3A_150 = arith.constant 0 : i32
        %jit3A_151 = arith.constant 23 : i32
        %max3A_152 = vector.broadcast %jit3A_150 : i32 to vector<16xi32>
        %max3A_153 = arith.maxsi %max3A_152, %sub3A_142 : vector<16xi32>
        %min3A_154 = vector.broadcast %jit3A_151 : i32 to vector<16xi32>
        %min3A_155 = arith.minsi %min3A_154, %max3A_153 : vector<16xi32>
        %mul3A_156 = arith.mulf %gather3A_139, %gather3A_140 : vector<16xf32>
        tpu.vector_store_idx %arg6[%min3A_155, %get3A_138], %mul3A_156 masked %and3A_149 {add = true} : memref<24x384xf32, #tpu.memory_space<vmem>>[vector<16xi32>, vector<16xi32>], vector<16xf32>, vector<16xi1>
        %scan3A_157 = arith.constant 1 : i32
        %scan3A_158 = arith.addi %scan3A_126, %scan3A_157 : i32
        %mul3A_159 = arith.constant 16 : i32
        %mul3A_160 = arith.muli %scan3A_158, %mul3A_159 : i32
        %get3A_161 = arith.constant 0 : i32
        %get3A_162 = arith.index_cast %get3A_161 : i32 to index
        %get3A_163 = arith.index_cast %mul3A_160 : i32 to index
        %get3A_164 = tpu.vector_load %arg5[%get3A_162, %get3A_163] {strides = array<i32>} : memref<2x5200xi32, #tpu.memory_space<vmem>>, vector<16xi32>,
        %mul3A_165 = arith.constant 16 : i32
        %mul3A_166 = arith.muli %scan3A_158, %mul3A_165 : i32
        %get3A_167 = arith.constant 1 : i32
        %get3A_168 = arith.index_cast %get3A_167 : i32 to index
        %get3A_169 = arith.index_cast %mul3A_166 : i32 to index
        %get3A_170 = tpu.vector_load %arg5[%get3A_168, %get3A_169] {strides = array<i32>} : memref<2x5200xi32, #tpu.memory_space<vmem>>, vector<16xi32>,
        %gather3A_171 = tpu.vector_load_idx %arg7[%get3A_164] : memref<384xf32, #tpu.memory_space<vmem>>[vector<16xi32>], vector<16xf32>,
        %gather3A_172 = tpu.vector_load_idx %arg7[%get3A_170] : memref<384xf32, #tpu.memory_space<vmem>>[vector<16xi32>], vector<16xf32>,
        %sub3A_173 = vector.broadcast %mul3A_0 : i32 to vector<16xi32>
        %sub3A_174 = arith.subi %get3A_164, %sub3A_173 : vector<16xi32>
        %ge3A_175 = arith.constant 0 : i32
        %ge3A_176 = vector.broadcast %ge3A_175 : i32 to vector<16xi32>
        %ge3A_177 = arith.cmpi sge, %sub3A_174, %ge3A_176 : vector<16xi32>
        %lt3A_178 = arith.constant 24 : i32
        %lt3A_179 = vector.broadcast %lt3A_178 : i32 to vector<16xi32>
        %lt3A_180 = arith.cmpi slt, %sub3A_174, %lt3A_179 : vector<16xi32>
        %and3A_181 = arith.andi %ge3A_177, %lt3A_180 : vector<16xi1>
        %jit3A_182 = arith.constant 0 : i32
        %jit3A_183 = arith.constant 23 : i32
        %max3A_184 = vector.broadcast %jit3A_182 : i32 to vector<16xi32>
        %max3A_185 = arith.maxsi %max3A_184, %sub3A_174 : vector<16xi32>
        %min3A_186 = vector.broadcast %jit3A_183 : i32 to vector<16xi32>
        %min3A_187 = arith.minsi %min3A_186, %max3A_185 : vector<16xi32>
        %mul3A_188 = arith.mulf %gather3A_171, %gather3A_172 : vector<16xf32>
        tpu.vector_store_idx %arg6[%min3A_187, %get3A_170], %mul3A_188 masked %and3A_181 {add = true} : memref<24x384xf32, #tpu.memory_space<vmem>>[vector<16xi32>, vector<16xi32>], vector<16xf32>, vector<16xi1>
        %scan3A_189 = arith.constant 2 : i32
        %scan3A_190 = arith.addi %scan3A_126, %scan3A_189 : i32
        %mul3A_191 = arith.constant 16 : i32
        %mul3A_192 = arith.muli %scan3A_190, %mul3A_191 : i32
        %get3A_193 = arith.constant 0 : i32
        %get3A_194 = arith.index_cast %get3A_193 : i32 to index
        %get3A_195 = arith.index_cast %mul3A_192 : i32 to index
        %get3A_196 = tpu.vector_load %arg5[%get3A_194, %get3A_195] {strides = array<i32>} : memref<2x5200xi32, #tpu.memory_space<vmem>>, vector<16xi32>,
        %mul3A_197 = arith.constant 16 : i32
        %mul3A_198 = arith.muli %scan3A_190, %mul3A_197 : i32
        %get3A_199 = arith.constant 1 : i32
        %get3A_200 = arith.index_cast %get3A_199 : i32 to index
        %get3A_201 = arith.index_cast %mul3A_198 : i32 to index
        %get3A_202 = tpu.vector_load %arg5[%get3A_200, %get3A_201] {strides = array<i32>} : memref<2x5200xi32, #tpu.memory_space<vmem>>, vector<16xi32>,
        %gather3A_203 = tpu.vector_load_idx %arg7[%get3A_196] : memref<384xf32, #tpu.memory_space<vmem>>[vector<16xi32>], vector<16xf32>,
        %gather3A_204 = tpu.vector_load_idx %arg7[%get3A_202] : memref<384xf32, #tpu.memory_space<vmem>>[vector<16xi32>], vector<16xf32>,
        %sub3A_205 = vector.broadcast %mul3A_0 : i32 to vector<16xi32>
        %sub3A_206 = arith.subi %get3A_196, %sub3A_205 : vector<16xi32>
        %ge3A_207 = arith.constant 0 : i32
        %ge3A_208 = vector.broadcast %ge3A_207 : i32 to vector<16xi32>
        %ge3A_209 = arith.cmpi sge, %sub3A_206, %ge3A_208 : vector<16xi32>
        %lt3A_210 = arith.constant 24 : i32
        %lt3A_211 = vector.broadcast %lt3A_210 : i32 to vector<16xi32>
        %lt3A_212 = arith.cmpi slt, %sub3A_206, %lt3A_211 : vector<16xi32>
        %and3A_213 = arith.andi %ge3A_209, %lt3A_212 : vector<16xi1>
        %jit3A_214 = arith.constant 0 : i32
        %jit3A_215 = arith.constant 23 : i32
        %max3A_216 = vector.broadcast %jit3A_214 : i32 to vector<16xi32>
        %max3A_217 = arith.maxsi %max3A_216, %sub3A_206 : vector<16xi32>
        %min3A_218 = vector.broadcast %jit3A_215 : i32 to vector<16xi32>
        %min3A_219 = arith.minsi %min3A_218, %max3A_217 : vector<16xi32>
        %mul3A_220 = arith.mulf %gather3A_203, %gather3A_204 : vector<16xf32>
        tpu.vector_store_idx %arg6[%min3A_219, %get3A_202], %mul3A_220 masked %and3A_213 {add = true} : memref<24x384xf32, #tpu.memory_space<vmem>>[vector<16xi32>, vector<16xi32>], vector<16xf32>, vector<16xi1>
        %scan3A_221 = arith.constant 3 : i32
        %scan3A_222 = arith.addi %scan3A_126, %scan3A_221 : i32
        %mul3A_223 = arith.constant 16 : i32
        %mul3A_224 = arith.muli %scan3A_222, %mul3A_223 : i32
        %get3A_225 = arith.constant 0 : i32
        %get3A_226 = arith.index_cast %get3A_225 : i32 to index
        %get3A_227 = arith.index_cast %mul3A_224 : i32 to index
        %get3A_228 = tpu.vector_load %arg5[%get3A_226, %get3A_227] {strides = array<i32>} : memref<2x5200xi32, #tpu.memory_space<vmem>>, vector<16xi32>,
        %mul3A_229 = arith.constant 16 : i32
        %mul3A_230 = arith.muli %scan3A_222, %mul3A_229 : i32
        %get3A_231 = arith.constant 1 : i32
        %get3A_232 = arith.index_cast %get3A_231 : i32 to index
        %get3A_233 = arith.index_cast %mul3A_230 : i32 to index
        %get3A_234 = tpu.vector_load %arg5[%get3A_232, %get3A_233] {strides = array<i32>} : memref<2x5200xi32, #tpu.memory_space<vmem>>, vector<16xi32>,
        %gather3A_235 = tpu.vector_load_idx %arg7[%get3A_228] : memref<384xf32, #tpu.memory_space<vmem>>[vector<16xi32>], vector<16xf32>,
        %gather3A_236 = tpu.vector_load_idx %arg7[%get3A_234] : memref<384xf32, #tpu.memory_space<vmem>>[vector<16xi32>], vector<16xf32>,
        %sub3A_237 = vector.broadcast %mul3A_0 : i32 to vector<16xi32>
        %sub3A_238 = arith.subi %get3A_228, %sub3A_237 : vector<16xi32>
        %ge3A_239 = arith.constant 0 : i32
        %ge3A_240 = vector.broadcast %ge3A_239 : i32 to vector<16xi32>
        %ge3A_241 = arith.cmpi sge, %sub3A_238, %ge3A_240 : vector<16xi32>
        %lt3A_242 = arith.constant 24 : i32
        %lt3A_243 = vector.broadcast %lt3A_242 : i32 to vector<16xi32>
        %lt3A_244 = arith.cmpi slt, %sub3A_238, %lt3A_243 : vector<16xi32>
        %and3A_245 = arith.andi %ge3A_241, %lt3A_244 : vector<16xi1>
        %jit3A_246 = arith.constant 0 : i32
        %jit3A_247 = arith.constant 23 : i32
        %max3A_248 = vector.broadcast %jit3A_246 : i32 to vector<16xi32>
        %max3A_249 = arith.maxsi %max3A_248, %sub3A_238 : vector<16xi32>
        %min3A_250 = vector.broadcast %jit3A_247 : i32 to vector<16xi32>
        %min3A_251 = arith.minsi %min3A_250, %max3A_249 : vector<16xi32>
        %mul3A_252 = arith.mulf %gather3A_235, %gather3A_236 : vector<16xf32>
        tpu.vector_store_idx %arg6[%min3A_251, %get3A_234], %mul3A_252 masked %and3A_245 {add = true} : memref<24x384xf32, #tpu.memory_space<vmem>>[vector<16xi32>, vector<16xi32>], vector<16xf32>, vector<16xi1>
      }
      %scan3A_37 = arith.constant 160 : i32
      %scan3A_38 = arith.addi %scan3A_33, %scan3A_37 : i32
      %mul3A_39 = arith.constant 16 : i32
      %mul3A_40 = arith.muli %scan3A_38, %mul3A_39 : i32
      %get3A_41 = arith.constant 0 : i32
      %get3A_42 = arith.index_cast %get3A_41 : i32 to index
      %get3A_43 = arith.index_cast %mul3A_40 : i32 to index
      %get3A_44 = tpu.vector_load %arg5[%get3A_42, %get3A_43] {strides = array<i32>} : memref<2x5200xi32, #tpu.memory_space<vmem>>, vector<16xi32>,
      %mul3A_45 = arith.constant 16 : i32
      %mul3A_46 = arith.muli %scan3A_38, %mul3A_45 : i32
      %get3A_47 = arith.constant 1 : i32
      %get3A_48 = arith.index_cast %get3A_47 : i32 to index
      %get3A_49 = arith.index_cast %mul3A_46 : i32 to index
      %get3A_50 = tpu.vector_load %arg5[%get3A_48, %get3A_49] {strides = array<i32>} : memref<2x5200xi32, #tpu.memory_space<vmem>>, vector<16xi32>,
      %gather3A = tpu.vector_load_idx %arg7[%get3A_44] : memref<384xf32, #tpu.memory_space<vmem>>[vector<16xi32>], vector<16xf32>,
      %gather3A_51 = tpu.vector_load_idx %arg7[%get3A_50] : memref<384xf32, #tpu.memory_space<vmem>>[vector<16xi32>], vector<16xf32>,
      %sub3A = vector.broadcast %mul3A_0 : i32 to vector<16xi32>
      %sub3A_52 = arith.subi %get3A_44, %sub3A : vector<16xi32>
      %ge3A = arith.constant 0 : i32
      %ge3A_53 = vector.broadcast %ge3A : i32 to vector<16xi32>
      %ge3A_54 = arith.cmpi sge, %sub3A_52, %ge3A_53 : vector<16xi32>
      %lt3A = arith.constant 24 : i32
      %lt3A_55 = vector.broadcast %lt3A : i32 to vector<16xi32>
      %lt3A_56 = arith.cmpi slt, %sub3A_52, %lt3A_55 : vector<16xi32>
      %and3A = arith.andi %ge3A_54, %lt3A_56 : vector<16xi1>
      %jit3A = arith.constant 0 : i32
      %jit3A_57 = arith.constant 23 : i32
      %max3A = vector.broadcast %jit3A : i32 to vector<16xi32>
      %max3A_58 = arith.maxsi %max3A, %sub3A_52 : vector<16xi32>
      %min3A = vector.broadcast %jit3A_57 : i32 to vector<16xi32>
      %min3A_59 = arith.minsi %min3A, %max3A_58 : vector<16xi32>
      %mul3A_60 = arith.mulf %gather3A, %gather3A_51 : vector<16xf32>
      tpu.vector_store_idx %arg6[%min3A_59, %get3A_50], %mul3A_60 masked %and3A {add = true} : memref<24x384xf32, #tpu.memory_space<vmem>>[vector<16xi32>, vector<16xi32>], vector<16xf32>, vector<16xi1>
      %scan3A_61 = arith.constant 161 : i32
      %scan3A_62 = arith.addi %scan3A_33, %scan3A_61 : i32
      %mul3A_63 = arith.constant 16 : i32
      %mul3A_64 = arith.muli %scan3A_62, %mul3A_63 : i32
      %get3A_65 = arith.constant 0 : i32
      %get3A_66 = arith.index_cast %get3A_65 : i32 to index
      %get3A_67 = arith.index_cast %mul3A_64 : i32 to index
      %get3A_68 = tpu.vector_load %arg5[%get3A_66, %get3A_67] {strides = array<i32>} : memref<2x5200xi32, #tpu.memory_space<vmem>>, vector<16xi32>,
      %mul3A_69 = arith.constant 16 : i32
      %mul3A_70 = arith.muli %scan3A_62, %mul3A_69 : i32
      %get3A_71 = arith.constant 1 : i32
      %get3A_72 = arith.index_cast %get3A_71 : i32 to index
      %get3A_73 = arith.index_cast %mul3A_70 : i32 to index
      %get3A_74 = tpu.vector_load %arg5[%get3A_72, %get3A_73] {strides = array<i32>} : memref<2x5200xi32, #tpu.memory_space<vmem>>, vector<16xi32>,
      %gather3A_75 = tpu.vector_load_idx %arg7[%get3A_68] : memref<384xf32, #tpu.memory_space<vmem>>[vector<16xi32>], vector<16xf32>,
      %gather3A_76 = tpu.vector_load_idx %arg7[%get3A_74] : memref<384xf32, #tpu.memory_space<vmem>>[vector<16xi32>], vector<16xf32>,
      %sub3A_77 = vector.broadcast %mul3A_0 : i32 to vector<16xi32>
      %sub3A_78 = arith.subi %get3A_68, %sub3A_77 : vector<16xi32>
      %ge3A_79 = arith.constant 0 : i32
      %ge3A_80 = vector.broadcast %ge3A_79 : i32 to vector<16xi32>
      %ge3A_81 = arith.cmpi sge, %sub3A_78, %ge3A_80 : vector<16xi32>
      %lt3A_82 = arith.constant 24 : i32
      %lt3A_83 = vector.broadcast %lt3A_82 : i32 to vector<16xi32>
      %lt3A_84 = arith.cmpi slt, %sub3A_78, %lt3A_83 : vector<16xi32>
      %and3A_85 = arith.andi %ge3A_81, %lt3A_84 : vector<16xi1>
      %jit3A_86 = arith.constant 0 : i32
      %jit3A_87 = arith.constant 23 : i32
      %max3A_88 = vector.broadcast %jit3A_86 : i32 to vector<16xi32>
      %max3A_89 = arith.maxsi %max3A_88, %sub3A_78 : vector<16xi32>
      %min3A_90 = vector.broadcast %jit3A_87 : i32 to vector<16xi32>
      %min3A_91 = arith.minsi %min3A_90, %max3A_89 : vector<16xi32>
      %mul3A_92 = arith.mulf %gather3A_75, %gather3A_76 : vector<16xf32>
      tpu.vector_store_idx %arg6[%min3A_91, %get3A_74], %mul3A_92 masked %and3A_85 {add = true} : memref<24x384xf32, #tpu.memory_space<vmem>>[vector<16xi32>, vector<16xi32>], vector<16xf32>, vector<16xi1>
      %scan3A_93 = arith.constant 162 : i32
      %scan3A_94 = arith.addi %scan3A_33, %scan3A_93 : i32
      %mul3A_95 = arith.constant 16 : i32
      %mul3A_96 = arith.muli %scan3A_94, %mul3A_95 : i32
      %get3A_97 = arith.constant 0 : i32
      %get3A_98 = arith.index_cast %get3A_97 : i32 to index
      %get3A_99 = arith.index_cast %mul3A_96 : i32 to index
      %get3A_100 = tpu.vector_load %arg5[%get3A_98, %get3A_99] {strides = array<i32>} : memref<2x5200xi32, #tpu.memory_space<vmem>>, vector<16xi32>,
      %mul3A_101 = arith.constant 16 : i32
      %mul3A_102 = arith.muli %scan3A_94, %mul3A_101 : i32
      %get3A_103 = arith.constant 1 : i32
      %get3A_104 = arith.index_cast %get3A_103 : i32 to index
      %get3A_105 = arith.index_cast %mul3A_102 : i32 to index
      %get3A_106 = tpu.vector_load %arg5[%get3A_104, %get3A_105] {strides = array<i32>} : memref<2x5200xi32, #tpu.memory_space<vmem>>, vector<16xi32>,
      %gather3A_107 = tpu.vector_load_idx %arg7[%get3A_100] : memref<384xf32, #tpu.memory_space<vmem>>[vector<16xi32>], vector<16xf32>,
      %gather3A_108 = tpu.vector_load_idx %arg7[%get3A_106] : memref<384xf32, #tpu.memory_space<vmem>>[vector<16xi32>], vector<16xf32>,
      %sub3A_109 = vector.broadcast %mul3A_0 : i32 to vector<16xi32>
      %sub3A_110 = arith.subi %get3A_100, %sub3A_109 : vector<16xi32>
      %ge3A_111 = arith.constant 0 : i32
      %ge3A_112 = vector.broadcast %ge3A_111 : i32 to vector<16xi32>
      %ge3A_113 = arith.cmpi sge, %sub3A_110, %ge3A_112 : vector<16xi32>
      %lt3A_114 = arith.constant 24 : i32
      %lt3A_115 = vector.broadcast %lt3A_114 : i32 to vector<16xi32>
      %lt3A_116 = arith.cmpi slt, %sub3A_110, %lt3A_115 : vector<16xi32>
      %and3A_117 = arith.andi %ge3A_113, %lt3A_116 : vector<16xi1>
      %jit3A_118 = arith.constant 0 : i32
      %jit3A_119 = arith.constant 23 : i32
      %max3A_120 = vector.broadcast %jit3A_118 : i32 to vector<16xi32>
      %max3A_121 = arith.maxsi %max3A_120, %sub3A_110 : vector<16xi32>
      %min3A_122 = vector.broadcast %jit3A_119 : i32 to vector<16xi32>
      %min3A_123 = arith.minsi %min3A_122, %max3A_121 : vector<16xi32>
      %mul3A_124 = arith.mulf %gather3A_107, %gather3A_108 : vector<16xf32>
      tpu.vector_store_idx %arg6[%min3A_123, %get3A_106], %mul3A_124 masked %and3A_117 {add = true} : memref<24x384xf32, #tpu.memory_space<vmem>>[vector<16xi32>, vector<16xi32>], vector<16xf32>, vector<16xi1>
      %scan3A_125 = arith.constant 163 : i32
    } else {
    }
    %eq3A_22 = arith.constant 1 : i32
    %eq3A_23 = arith.cmpi eq, %arg0, %eq3A_22 : i32
    %convert_element_type3A_24 = arith.extui %eq3A_23 : i1 to i32
    %cond3A_25 = arith.constant 0 : i32
    %cond3A_26 = arith.cmpi ne, %convert_element_type3A_24, %cond3A_25 : i32
    scf.if %cond3A_26 {
      %scan3A_32 = arith.constant 0 : i32
      %scan3A_33 = arith.constant 163 : i32
      %scan3A_34 = arith.constant 160 : i32
      %scan3A_35 = arith.addi %scan3A_33, %scan3A_34 : i32
      %scan3A_36 = arith.constant 4 : i32
      scf.for %scan3A_94 = %scan3A_33 to %scan3A_35 step %scan3A_36  : i32 {
        %mul3A_95 = arith.constant 16 : i32
        %mul3A_96 = arith.muli %scan3A_94, %mul3A_95 : i32
        %get3A_97 = arith.constant 0 : i32
        %get3A_98 = arith.index_cast %get3A_97 : i32 to index
        %get3A_99 = arith.index_cast %mul3A_96 : i32 to index
        %get3A_100 = tpu.vector_load %arg5[%get3A_98, %get3A_99] {strides = array<i32>} : memref<2x5200xi32, #tpu.memory_space<vmem>>, vector<16xi32>,
        %mul3A_101 = arith.constant 16 : i32
        %mul3A_102 = arith.muli %scan3A_94, %mul3A_101 : i32
        %get3A_103 = arith.constant 1 : i32
        %get3A_104 = arith.index_cast %get3A_103 : i32 to index
        %get3A_105 = arith.index_cast %mul3A_102 : i32 to index
        %get3A_106 = tpu.vector_load %arg5[%get3A_104, %get3A_105] {strides = array<i32>} : memref<2x5200xi32, #tpu.memory_space<vmem>>, vector<16xi32>,
        %gather3A_107 = tpu.vector_load_idx %arg7[%get3A_100] : memref<384xf32, #tpu.memory_space<vmem>>[vector<16xi32>], vector<16xf32>,
        %gather3A_108 = tpu.vector_load_idx %arg7[%get3A_106] : memref<384xf32, #tpu.memory_space<vmem>>[vector<16xi32>], vector<16xf32>,
        %sub3A_109 = vector.broadcast %mul3A_0 : i32 to vector<16xi32>
        %sub3A_110 = arith.subi %get3A_100, %sub3A_109 : vector<16xi32>
        %ge3A_111 = arith.constant 0 : i32
        %ge3A_112 = vector.broadcast %ge3A_111 : i32 to vector<16xi32>
        %ge3A_113 = arith.cmpi sge, %sub3A_110, %ge3A_112 : vector<16xi32>
        %lt3A_114 = arith.constant 24 : i32
        %lt3A_115 = vector.broadcast %lt3A_114 : i32 to vector<16xi32>
        %lt3A_116 = arith.cmpi slt, %sub3A_110, %lt3A_115 : vector<16xi32>
        %and3A_117 = arith.andi %ge3A_113, %lt3A_116 : vector<16xi1>
        %jit3A_118 = arith.constant 0 : i32
        %jit3A_119 = arith.constant 23 : i32
        %max3A_120 = vector.broadcast %jit3A_118 : i32 to vector<16xi32>
        %max3A_121 = arith.maxsi %max3A_120, %sub3A_110 : vector<16xi32>
        %min3A_122 = vector.broadcast %jit3A_119 : i32 to vector<16xi32>
        %min3A_123 = arith.minsi %min3A_122, %max3A_121 : vector<16xi32>
        %mul3A_124 = arith.mulf %gather3A_107, %gather3A_108 : vector<16xf32>
        tpu.vector_store_idx %arg6[%min3A_123, %get3A_106], %mul3A_124 masked %and3A_117 {add = true} : memref<24x384xf32, #tpu.memory_space<vmem>>[vector<16xi32>, vector<16xi32>], vector<16xf32>, vector<16xi1>
        %scan3A_125 = arith.constant 1 : i32
        %scan3A_126 = arith.addi %scan3A_94, %scan3A_125 : i32
        %mul3A_127 = arith.constant 16 : i32
        %mul3A_128 = arith.muli %scan3A_126, %mul3A_127 : i32
        %get3A_129 = arith.constant 0 : i32
        %get3A_130 = arith.index_cast %get3A_129 : i32 to index
        %get3A_131 = arith.index_cast %mul3A_128 : i32 to index
        %get3A_132 = tpu.vector_load %arg5[%get3A_130, %get3A_131] {strides = array<i32>} : memref<2x5200xi32, #tpu.memory_space<vmem>>, vector<16xi32>,
        %mul3A_133 = arith.constant 16 : i32
        %mul3A_134 = arith.muli %scan3A_126, %mul3A_133 : i32
        %get3A_135 = arith.constant 1 : i32
        %get3A_136 = arith.index_cast %get3A_135 : i32 to index
        %get3A_137 = arith.index_cast %mul3A_134 : i32 to index
        %get3A_138 = tpu.vector_load %arg5[%get3A_136, %get3A_137] {strides = array<i32>} : memref<2x5200xi32, #tpu.memory_space<vmem>>, vector<16xi32>,
        %gather3A_139 = tpu.vector_load_idx %arg7[%get3A_132] : memref<384xf32, #tpu.memory_space<vmem>>[vector<16xi32>], vector<16xf32>,
        %gather3A_140 = tpu.vector_load_idx %arg7[%get3A_138] : memref<384xf32, #tpu.memory_space<vmem>>[vector<16xi32>], vector<16xf32>,
        %sub3A_141 = vector.broadcast %mul3A_0 : i32 to vector<16xi32>
        %sub3A_142 = arith.subi %get3A_132, %sub3A_141 : vector<16xi32>
        %ge3A_143 = arith.constant 0 : i32
        %ge3A_144 = vector.broadcast %ge3A_143 : i32 to vector<16xi32>
        %ge3A_145 = arith.cmpi sge, %sub3A_142, %ge3A_144 : vector<16xi32>
        %lt3A_146 = arith.constant 24 : i32
        %lt3A_147 = vector.broadcast %lt3A_146 : i32 to vector<16xi32>
        %lt3A_148 = arith.cmpi slt, %sub3A_142, %lt3A_147 : vector<16xi32>
        %and3A_149 = arith.andi %ge3A_145, %lt3A_148 : vector<16xi1>
        %jit3A_150 = arith.constant 0 : i32
        %jit3A_151 = arith.constant 23 : i32
        %max3A_152 = vector.broadcast %jit3A_150 : i32 to vector<16xi32>
        %max3A_153 = arith.maxsi %max3A_152, %sub3A_142 : vector<16xi32>
        %min3A_154 = vector.broadcast %jit3A_151 : i32 to vector<16xi32>
        %min3A_155 = arith.minsi %min3A_154, %max3A_153 : vector<16xi32>
        %mul3A_156 = arith.mulf %gather3A_139, %gather3A_140 : vector<16xf32>
        tpu.vector_store_idx %arg6[%min3A_155, %get3A_138], %mul3A_156 masked %and3A_149 {add = true} : memref<24x384xf32, #tpu.memory_space<vmem>>[vector<16xi32>, vector<16xi32>], vector<16xf32>, vector<16xi1>
        %scan3A_157 = arith.constant 2 : i32
        %scan3A_158 = arith.addi %scan3A_94, %scan3A_157 : i32
        %mul3A_159 = arith.constant 16 : i32
        %mul3A_160 = arith.muli %scan3A_158, %mul3A_159 : i32
        %get3A_161 = arith.constant 0 : i32
        %get3A_162 = arith.index_cast %get3A_161 : i32 to index
        %get3A_163 = arith.index_cast %mul3A_160 : i32 to index
        %get3A_164 = tpu.vector_load %arg5[%get3A_162, %get3A_163] {strides = array<i32>} : memref<2x5200xi32, #tpu.memory_space<vmem>>, vector<16xi32>,
        %mul3A_165 = arith.constant 16 : i32
        %mul3A_166 = arith.muli %scan3A_158, %mul3A_165 : i32
        %get3A_167 = arith.constant 1 : i32
        %get3A_168 = arith.index_cast %get3A_167 : i32 to index
        %get3A_169 = arith.index_cast %mul3A_166 : i32 to index
        %get3A_170 = tpu.vector_load %arg5[%get3A_168, %get3A_169] {strides = array<i32>} : memref<2x5200xi32, #tpu.memory_space<vmem>>, vector<16xi32>,
        %gather3A_171 = tpu.vector_load_idx %arg7[%get3A_164] : memref<384xf32, #tpu.memory_space<vmem>>[vector<16xi32>], vector<16xf32>,
        %gather3A_172 = tpu.vector_load_idx %arg7[%get3A_170] : memref<384xf32, #tpu.memory_space<vmem>>[vector<16xi32>], vector<16xf32>,
        %sub3A_173 = vector.broadcast %mul3A_0 : i32 to vector<16xi32>
        %sub3A_174 = arith.subi %get3A_164, %sub3A_173 : vector<16xi32>
        %ge3A_175 = arith.constant 0 : i32
        %ge3A_176 = vector.broadcast %ge3A_175 : i32 to vector<16xi32>
        %ge3A_177 = arith.cmpi sge, %sub3A_174, %ge3A_176 : vector<16xi32>
        %lt3A_178 = arith.constant 24 : i32
        %lt3A_179 = vector.broadcast %lt3A_178 : i32 to vector<16xi32>
        %lt3A_180 = arith.cmpi slt, %sub3A_174, %lt3A_179 : vector<16xi32>
        %and3A_181 = arith.andi %ge3A_177, %lt3A_180 : vector<16xi1>
        %jit3A_182 = arith.constant 0 : i32
        %jit3A_183 = arith.constant 23 : i32
        %max3A_184 = vector.broadcast %jit3A_182 : i32 to vector<16xi32>
        %max3A_185 = arith.maxsi %max3A_184, %sub3A_174 : vector<16xi32>
        %min3A_186 = vector.broadcast %jit3A_183 : i32 to vector<16xi32>
        %min3A_187 = arith.minsi %min3A_186, %max3A_185 : vector<16xi32>
        %mul3A_188 = arith.mulf %gather3A_171, %gather3A_172 : vector<16xf32>
        tpu.vector_store_idx %arg6[%min3A_187, %get3A_170], %mul3A_188 masked %and3A_181 {add = true} : memref<24x384xf32, #tpu.memory_space<vmem>>[vector<16xi32>, vector<16xi32>], vector<16xf32>, vector<16xi1>
        %scan3A_189 = arith.constant 3 : i32
        %scan3A_190 = arith.addi %scan3A_94, %scan3A_189 : i32
        %mul3A_191 = arith.constant 16 : i32
        %mul3A_192 = arith.muli %scan3A_190, %mul3A_191 : i32
        %get3A_193 = arith.constant 0 : i32
        %get3A_194 = arith.index_cast %get3A_193 : i32 to index
        %get3A_195 = arith.index_cast %mul3A_192 : i32 to index
        %get3A_196 = tpu.vector_load %arg5[%get3A_194, %get3A_195] {strides = array<i32>} : memref<2x5200xi32, #tpu.memory_space<vmem>>, vector<16xi32>,
        %mul3A_197 = arith.constant 16 : i32
        %mul3A_198 = arith.muli %scan3A_190, %mul3A_197 : i32
        %get3A_199 = arith.constant 1 : i32
        %get3A_200 = arith.index_cast %get3A_199 : i32 to index
        %get3A_201 = arith.index_cast %mul3A_198 : i32 to index
        %get3A_202 = tpu.vector_load %arg5[%get3A_200, %get3A_201] {strides = array<i32>} : memref<2x5200xi32, #tpu.memory_space<vmem>>, vector<16xi32>,
        %gather3A_203 = tpu.vector_load_idx %arg7[%get3A_196] : memref<384xf32, #tpu.memory_space<vmem>>[vector<16xi32>], vector<16xf32>,
        %gather3A_204 = tpu.vector_load_idx %arg7[%get3A_202] : memref<384xf32, #tpu.memory_space<vmem>>[vector<16xi32>], vector<16xf32>,
        %sub3A_205 = vector.broadcast %mul3A_0 : i32 to vector<16xi32>
        %sub3A_206 = arith.subi %get3A_196, %sub3A_205 : vector<16xi32>
        %ge3A_207 = arith.constant 0 : i32
        %ge3A_208 = vector.broadcast %ge3A_207 : i32 to vector<16xi32>
        %ge3A_209 = arith.cmpi sge, %sub3A_206, %ge3A_208 : vector<16xi32>
        %lt3A_210 = arith.constant 24 : i32
        %lt3A_211 = vector.broadcast %lt3A_210 : i32 to vector<16xi32>
        %lt3A_212 = arith.cmpi slt, %sub3A_206, %lt3A_211 : vector<16xi32>
        %and3A_213 = arith.andi %ge3A_209, %lt3A_212 : vector<16xi1>
        %jit3A_214 = arith.constant 0 : i32
        %jit3A_215 = arith.constant 23 : i32
        %max3A_216 = vector.broadcast %jit3A_214 : i32 to vector<16xi32>
        %max3A_217 = arith.maxsi %max3A_216, %sub3A_206 : vector<16xi32>
        %min3A_218 = vector.broadcast %jit3A_215 : i32 to vector<16xi32>
        %min3A_219 = arith.minsi %min3A_218, %max3A_217 : vector<16xi32>
        %mul3A_220 = arith.mulf %gather3A_203, %gather3A_204 : vector<16xf32>
        tpu.vector_store_idx %arg6[%min3A_219, %get3A_202], %mul3A_220 masked %and3A_213 {add = true} : memref<24x384xf32, #tpu.memory_space<vmem>>[vector<16xi32>, vector<16xi32>], vector<16xf32>, vector<16xi1>
      }
      %scan3A_37 = arith.constant 160 : i32
      %scan3A_38 = arith.addi %scan3A_33, %scan3A_37 : i32
      %mul3A_39 = arith.constant 16 : i32
      %mul3A_40 = arith.muli %scan3A_38, %mul3A_39 : i32
      %get3A_41 = arith.constant 0 : i32
      %get3A_42 = arith.index_cast %get3A_41 : i32 to index
      %get3A_43 = arith.index_cast %mul3A_40 : i32 to index
      %get3A_44 = tpu.vector_load %arg5[%get3A_42, %get3A_43] {strides = array<i32>} : memref<2x5200xi32, #tpu.memory_space<vmem>>, vector<16xi32>,
      %mul3A_45 = arith.constant 16 : i32
      %mul3A_46 = arith.muli %scan3A_38, %mul3A_45 : i32
      %get3A_47 = arith.constant 1 : i32
      %get3A_48 = arith.index_cast %get3A_47 : i32 to index
      %get3A_49 = arith.index_cast %mul3A_46 : i32 to index
      %get3A_50 = tpu.vector_load %arg5[%get3A_48, %get3A_49] {strides = array<i32>} : memref<2x5200xi32, #tpu.memory_space<vmem>>, vector<16xi32>,
      %gather3A = tpu.vector_load_idx %arg7[%get3A_44] : memref<384xf32, #tpu.memory_space<vmem>>[vector<16xi32>], vector<16xf32>,
      %gather3A_51 = tpu.vector_load_idx %arg7[%get3A_50] : memref<384xf32, #tpu.memory_space<vmem>>[vector<16xi32>], vector<16xf32>,
      %sub3A = vector.broadcast %mul3A_0 : i32 to vector<16xi32>
      %sub3A_52 = arith.subi %get3A_44, %sub3A : vector<16xi32>
      %ge3A = arith.constant 0 : i32
      %ge3A_53 = vector.broadcast %ge3A : i32 to vector<16xi32>
      %ge3A_54 = arith.cmpi sge, %sub3A_52, %ge3A_53 : vector<16xi32>
      %lt3A = arith.constant 24 : i32
      %lt3A_55 = vector.broadcast %lt3A : i32 to vector<16xi32>
      %lt3A_56 = arith.cmpi slt, %sub3A_52, %lt3A_55 : vector<16xi32>
      %and3A = arith.andi %ge3A_54, %lt3A_56 : vector<16xi1>
      %jit3A = arith.constant 0 : i32
      %jit3A_57 = arith.constant 23 : i32
      %max3A = vector.broadcast %jit3A : i32 to vector<16xi32>
      %max3A_58 = arith.maxsi %max3A, %sub3A_52 : vector<16xi32>
      %min3A = vector.broadcast %jit3A_57 : i32 to vector<16xi32>
      %min3A_59 = arith.minsi %min3A, %max3A_58 : vector<16xi32>
      %mul3A_60 = arith.mulf %gather3A, %gather3A_51 : vector<16xf32>
      tpu.vector_store_idx %arg6[%min3A_59, %get3A_50], %mul3A_60 masked %and3A {add = true} : memref<24x384xf32, #tpu.memory_space<vmem>>[vector<16xi32>, vector<16xi32>], vector<16xf32>, vector<16xi1>
      %scan3A_61 = arith.constant 161 : i32
      %scan3A_62 = arith.addi %scan3A_33, %scan3A_61 : i32
      %mul3A_63 = arith.constant 16 : i32
      %mul3A_64 = arith.muli %scan3A_62, %mul3A_63 : i32
      %get3A_65 = arith.constant 0 : i32
      %get3A_66 = arith.index_cast %get3A_65 : i32 to index
      %get3A_67 = arith.index_cast %mul3A_64 : i32 to index
      %get3A_68 = tpu.vector_load %arg5[%get3A_66, %get3A_67] {strides = array<i32>} : memref<2x5200xi32, #tpu.memory_space<vmem>>, vector<16xi32>,
      %mul3A_69 = arith.constant 16 : i32
      %mul3A_70 = arith.muli %scan3A_62, %mul3A_69 : i32
      %get3A_71 = arith.constant 1 : i32
      %get3A_72 = arith.index_cast %get3A_71 : i32 to index
      %get3A_73 = arith.index_cast %mul3A_70 : i32 to index
      %get3A_74 = tpu.vector_load %arg5[%get3A_72, %get3A_73] {strides = array<i32>} : memref<2x5200xi32, #tpu.memory_space<vmem>>, vector<16xi32>,
      %gather3A_75 = tpu.vector_load_idx %arg7[%get3A_68] : memref<384xf32, #tpu.memory_space<vmem>>[vector<16xi32>], vector<16xf32>,
      %gather3A_76 = tpu.vector_load_idx %arg7[%get3A_74] : memref<384xf32, #tpu.memory_space<vmem>>[vector<16xi32>], vector<16xf32>,
      %sub3A_77 = vector.broadcast %mul3A_0 : i32 to vector<16xi32>
      %sub3A_78 = arith.subi %get3A_68, %sub3A_77 : vector<16xi32>
      %ge3A_79 = arith.constant 0 : i32
      %ge3A_80 = vector.broadcast %ge3A_79 : i32 to vector<16xi32>
      %ge3A_81 = arith.cmpi sge, %sub3A_78, %ge3A_80 : vector<16xi32>
      %lt3A_82 = arith.constant 24 : i32
      %lt3A_83 = vector.broadcast %lt3A_82 : i32 to vector<16xi32>
      %lt3A_84 = arith.cmpi slt, %sub3A_78, %lt3A_83 : vector<16xi32>
      %and3A_85 = arith.andi %ge3A_81, %lt3A_84 : vector<16xi1>
      %jit3A_86 = arith.constant 0 : i32
      %jit3A_87 = arith.constant 23 : i32
      %max3A_88 = vector.broadcast %jit3A_86 : i32 to vector<16xi32>
      %max3A_89 = arith.maxsi %max3A_88, %sub3A_78 : vector<16xi32>
      %min3A_90 = vector.broadcast %jit3A_87 : i32 to vector<16xi32>
      %min3A_91 = arith.minsi %min3A_90, %max3A_89 : vector<16xi32>
      %mul3A_92 = arith.mulf %gather3A_75, %gather3A_76 : vector<16xf32>
      tpu.vector_store_idx %arg6[%min3A_91, %get3A_74], %mul3A_92 masked %and3A_85 {add = true} : memref<24x384xf32, #tpu.memory_space<vmem>>[vector<16xi32>, vector<16xi32>], vector<16xf32>, vector<16xi1>
      %scan3A_93 = arith.constant 162 : i32
    } else {
    }
    %eq3A_27 = arith.constant 0 : i32
    %eq3A_28 = arith.cmpi eq, %arg0, %eq3A_27 : i32
    %convert_element_type3A_29 = arith.extui %eq3A_28 : i1 to i32
    %cond3A_30 = arith.constant 0 : i32
    %cond3A_31 = arith.cmpi ne, %convert_element_type3A_29, %cond3A_30 : i32
    scf.if %cond3A_31 {
      %scan3A_32 = arith.constant 0 : i32
      %scan3A_33 = arith.constant 0 : i32
      %scan3A_34 = arith.constant 2 : i32
      %scan3A_35 = arith.addi %scan3A_33, %scan3A_34 : i32
      %scan3A_36 = arith.constant 1 : i32
      scf.for %scan3A_38 = %scan3A_33 to %scan3A_35 step %scan3A_36  : i32 {
        %mul3A_39 = arith.constant 16 : i32
        %mul3A_40 = arith.muli %scan3A_38, %mul3A_39 : i32
        %add3A = arith.addi %mul3A_0, %mul3A_40 : i32
        %iota3A = tpu.iota {dimensions = array<i32: 0>} : vector<16xi32>
        %add3A_41 = vector.broadcast %add3A : i32 to vector<16xi32>
        %add3A_42 = arith.addi %add3A_41, %iota3A : vector<16xi32>
        %sub3A = vector.broadcast %mul3A_0 : i32 to vector<16xi32>
        %sub3A_43 = arith.subi %add3A_42, %sub3A : vector<16xi32>
        %lt3A = arith.constant 24 : i32
        %lt3A_44 = vector.broadcast %lt3A : i32 to vector<16xi32>
        %lt3A_45 = arith.cmpi slt, %sub3A_43, %lt3A_44 : vector<16xi32>
        %lt3A_46 = arith.constant 325 : i32
        %lt3A_47 = vector.broadcast %lt3A_46 : i32 to vector<16xi32>
        %lt3A_48 = arith.cmpi slt, %add3A_42, %lt3A_47 : vector<16xi32>
        %and3A = arith.andi %lt3A_45, %lt3A_48 : vector<16xi1>
        %jit3A = arith.constant 0 : i32
        %jit3A_49 = arith.constant 23 : i32
        %max3A = vector.broadcast %jit3A : i32 to vector<16xi32>
        %max3A_50 = arith.maxsi %max3A, %sub3A_43 : vector<16xi32>
        %min3A = vector.broadcast %jit3A_49 : i32 to vector<16xi32>
        %min3A_51 = arith.minsi %min3A, %max3A_50 : vector<16xi32>
        %add3A_52 = vector.broadcast %mul3A_0 : i32 to vector<16xi32>
        %add3A_53 = arith.addi %add3A_52, %min3A_51 : vector<16xi32>
        %gather3A = tpu.vector_load_idx %arg7[%add3A_53] : memref<384xf32, #tpu.memory_space<vmem>>[vector<16xi32>], vector<16xf32>,
        %mul3A_54 = arith.mulf %gather3A, %gather3A : vector<16xf32>
        tpu.vector_store_idx %arg6[%min3A_51, %add3A_53], %mul3A_54 masked %and3A {add = true} : memref<24x384xf32, #tpu.memory_space<vmem>>[vector<16xi32>, vector<16xi32>], vector<16xf32>, vector<16xi1>
      }
      %scan3A_37 = arith.constant 2 : i32
    } else {
    }
    "tpu.region"() ({
      %run_scoped3A_32 = tpu.sem_alloc : memref<!tpu.dma_semaphore, #tpu.memory_space<semaphore_mem>>
      %dma_start3A = arith.constant 0 : i32
      %dma_start3A_33 = tpu.memref_slice %arg4[%arg0, %mul3A_0, %dma_start3A] : memref<2x384x384xf32, #tpu.memory_space<hbm>> -> memref<1x24x384xf32, #tpu.memory_space<hbm>>
      %dma_start3A_34 = tpu.memref_squeeze %dma_start3A_33 : memref<1x24x384xf32, #tpu.memory_space<hbm>> -> memref<24x384xf32, #tpu.memory_space<hbm>>
      %dma_start3A_35 = arith.constant 0 : i32
      %dma_start3A_36 = tpu.memref_slice %arg4[%arg0, %mul3A_0, %dma_start3A_35] : memref<2x384x384xf32, #tpu.memory_space<hbm>> -> memref<1x24x384xf32, #tpu.memory_space<hbm>>
      %dma_start3A_37 = tpu.memref_squeeze %dma_start3A_36 : memref<1x24x384xf32, #tpu.memory_space<hbm>> -> memref<24x384xf32, #tpu.memory_space<hbm>>
      tpu.enqueue_dma source(%arg6 : memref<24x384xf32, #tpu.memory_space<vmem>>) target(%dma_start3A_37 : memref<24x384xf32, #tpu.memory_space<hbm>>) target_semaphore(%run_scoped3A_32 : memref<!tpu.dma_semaphore, #tpu.memory_space<semaphore_mem>>)
      %dma_wait3A = arith.constant 0 : i32
      %dma_wait3A_38 = tpu.memref_slice %arg4[%arg0, %mul3A_0, %dma_wait3A] : memref<2x384x384xf32, #tpu.memory_space<hbm>> -> memref<1x24x384xf32, #tpu.memory_space<hbm>>
      %dma_wait3A_39 = tpu.memref_squeeze %dma_wait3A_38 : memref<1x24x384xf32, #tpu.memory_space<hbm>> -> memref<24x384xf32, #tpu.memory_space<hbm>>
      %dma_wait3A_40 = arith.constant 0 : i32
      %dma_wait3A_41 = tpu.memref_slice %arg4[%arg0, %mul3A_0, %dma_wait3A_40] : memref<2x384x384xf32, #tpu.memory_space<hbm>> -> memref<1x24x384xf32, #tpu.memory_space<hbm>>
      %dma_wait3A_42 = tpu.memref_squeeze %dma_wait3A_41 : memref<1x24x384xf32, #tpu.memory_space<hbm>> -> memref<24x384xf32, #tpu.memory_space<hbm>>
      tpu.wait_dma2 semaphore(%run_scoped3A_32 : memref<!tpu.dma_semaphore, #tpu.memory_space<semaphore_mem>>) src(%arg6 : memref<24x384xf32, #tpu.memory_space<vmem>>) dst(%dma_wait3A_42 : memref<24x384xf32, #tpu.memory_space<hbm>>)
      tpu.yield
    }) : () -> ()
    return
  }
}

module attributes {stable_mosaic.version = 14 : i64} {
  func.func @_tc_main_body(%arg0: i32, %arg1: memref<384x384xbf16, #tpu.memory_space<vmem>>, %arg2: memref<2x384x384xf32, #tpu.memory_space<vmem>>, %arg3: memref<5x384x384xf32, #tpu.memory_space<vmem>>, %arg4: memref<384x384xf32, #tpu.memory_space<vmem>>, %arg5: memref<1x384xf32, #tpu.memory_space<vmem>>, %arg6: memref<1x384xf32, #tpu.memory_space<vmem>>, %arg7: memref<28xf32, #tpu.memory_space<smem>>, %arg8: memref<4x96x325xf32, #tpu.memory_space<vmem>>, %arg9: memref<384x768xbf16, #tpu.memory_space<vmem>>, %arg10: memref<4x384x384xbf16, #tpu.memory_space<vmem>>, %arg11: memref<1x384xf32, #tpu.memory_space<vmem>>) attributes {dimension_semantics = [#tpu.dimension_semantics<arbitrary>], iteration_bounds = array<i64: 8>, scalar_prefetch = 0 : i64, scratch_operands = 3 : i64, tpu.core_type = #tpu.core_type<tc>, window_params = [{transform_indices = @transform_0, window_bounds = array<i64: 384, 384>}, {pipeline_mode = #tpu.pipeline_mode<synchronous>, transform_indices = @transform_1, window_bounds = array<i64: 2, 384, 384>}, {pipeline_mode = #tpu.pipeline_mode<synchronous>, transform_indices = @transform_2, window_bounds = array<i64: 5, 384, 384>}, {pipeline_mode = #tpu.pipeline_mode<synchronous>, transform_indices = @transform_3, window_bounds = array<i64: 384, 384>}, {pipeline_mode = #tpu.pipeline_mode<synchronous>, transform_indices = @transform_4, window_bounds = array<i64: 1, 384>}, {pipeline_mode = #tpu.pipeline_mode<synchronous>, transform_indices = @transform_5, window_bounds = array<i64: 1, 384>}, {transform_indices = @transform_6, window_bounds = array<i64: 28>}, {transform_indices = @transform_7, window_bounds = array<i64: 4, 96, 325>}]} {
    %eq3A = arith.constant 0 : i32
    %eq3A_0 = arith.cmpi eq, %arg0, %eq3A : i32
    %convert_element_type3A = arith.extui %eq3A_0 : i1 to i32
    %cond3A = arith.constant 0 : i32
    %cond3A_1 = arith.cmpi ne, %convert_element_type3A, %cond3A : i32
    scf.if %cond3A_1 {
      %get3A_95 = arith.constant 0 : index
      %get3A_96 = arith.constant 0 : index
      %get3A_97 = arith.constant 0 : index
      %get3A_98 = vector.load %arg2[%get3A_95, %get3A_96, %get3A_97] : memref<2x384x384xf32, #tpu.memory_space<vmem>>, vector<1x384x384xf32>
      %get3A_99 = vector.shape_cast %get3A_98 : vector<1x384x384xf32> to vector<384x384xf32>
      %get3A_100 = arith.constant 1 : index
      %get3A_101 = arith.constant 0 : index
      %get3A_102 = arith.constant 0 : index
      %get3A_103 = vector.load %arg2[%get3A_100, %get3A_101, %get3A_102] : memref<2x384x384xf32, #tpu.memory_space<vmem>>, vector<1x384x384xf32>
      %get3A_104 = vector.shape_cast %get3A_103 : vector<1x384x384xf32> to vector<384x384xf32>
      %add3A_105 = arith.addf %get3A_99, %get3A_104 : vector<384x384xf32>
      %convert_element_type3A_106 = arith.truncf %add3A_105 : vector<384x384xf32> to vector<384x384xbf16>
      %get3A_107 = arith.constant 0 : index
      %get3A_108 = arith.constant 0 : index
      %get3A_109 = vector.load %arg4[%get3A_107, %get3A_108] : memref<384x384xf32, #tpu.memory_space<vmem>>, vector<384x384xf32>
      %convert_element_type3A_110 = arith.truncf %get3A_109 : vector<384x384xf32> to vector<384x384xbf16>
      %swap3A_111 = arith.constant 0 : index
      %swap3A_112 = arith.constant 0 : index
      %swap3A_113 = vector.load %arg9[%swap3A_111, %swap3A_112] : memref<384x768xbf16, #tpu.memory_space<vmem>>, vector<384x384xbf16>
      tpu.vector_store %arg9[%swap3A_111, %swap3A_112], %convert_element_type3A_106 {strides = array<i32>} : memref<384x768xbf16, #tpu.memory_space<vmem>>, vector<384x384xbf16>,
      %get3A_114 = arith.constant 0 : index
      %get3A_115 = arith.constant 0 : index
      %get3A_116 = arith.constant 0 : index
      %get3A_117 = vector.load %arg3[%get3A_114, %get3A_115, %get3A_116] : memref<5x384x384xf32, #tpu.memory_space<vmem>>, vector<1x384x384xf32>
      %get3A_118 = vector.shape_cast %get3A_117 : vector<1x384x384xf32> to vector<384x384xf32>
      %convert_element_type3A_119 = arith.truncf %get3A_118 : vector<384x384xf32> to vector<384x384xbf16>
      %dot_general3A_120 = arith.constant dense<0.000000e+00> : vector<384x384xf32>
      %dot_general3A_121 = tpu.matmul %convert_element_type3A_119, %convert_element_type3A_110, %dot_general3A_120 {dimension_numbers = #tpu.dot_dimension_numbers<[1], [0], [0], [1], [0, 0, 1, 1], [], []>, transpose_lhs_hint = false} : vector<384x384xbf16>, vector<384x384xbf16>, vector<384x384xf32> -> vector<384x384xf32>
      %convert_element_type3A_122 = arith.truncf %dot_general3A_121 : vector<384x384xf32> to vector<384x384xbf16>
      %swap3A_123 = arith.constant 0 : index
      %swap3A_124 = arith.constant 384 : index
      %swap3A_125 = vector.load %arg9[%swap3A_123, %swap3A_124] : memref<384x768xbf16, #tpu.memory_space<vmem>>, vector<384x384xbf16>
      tpu.vector_store %arg9[%swap3A_123, %swap3A_124], %convert_element_type3A_122 {strides = array<i32>} : memref<384x768xbf16, #tpu.memory_space<vmem>>, vector<384x384xbf16>,
      %get3A_126 = arith.constant 1 : index
      %get3A_127 = arith.constant 0 : index
      %get3A_128 = arith.constant 0 : index
      %get3A_129 = vector.load %arg3[%get3A_126, %get3A_127, %get3A_128] : memref<5x384x384xf32, #tpu.memory_space<vmem>>, vector<1x384x384xf32>
      %get3A_130 = vector.shape_cast %get3A_129 : vector<1x384x384xf32> to vector<384x384xf32>
      %get3A_131 = arith.constant 8 : index
      %get3A_132 = memref.load %arg7[%get3A_131] : memref<28xf32, #tpu.memory_space<smem>>
      %mul3A_133 = vector.broadcast %get3A_132 : f32 to vector<384x384xf32>
      %mul3A_134 = arith.mulf %get3A_130, %mul3A_133 : vector<384x384xf32>
      %get3A_135 = arith.constant 2 : index
      %get3A_136 = arith.constant 0 : index
      %get3A_137 = arith.constant 0 : index
      %get3A_138 = vector.load %arg3[%get3A_135, %get3A_136, %get3A_137] : memref<5x384x384xf32, #tpu.memory_space<vmem>>, vector<1x384x384xf32>
      %get3A_139 = vector.shape_cast %get3A_138 : vector<1x384x384xf32> to vector<384x384xf32>
      %get3A_140 = arith.constant 9 : index
      %get3A_141 = memref.load %arg7[%get3A_140] : memref<28xf32, #tpu.memory_space<smem>>
      %mul3A_142 = vector.broadcast %get3A_141 : f32 to vector<384x384xf32>
      %mul3A_143 = arith.mulf %get3A_139, %mul3A_142 : vector<384x384xf32>
      %add3A_144 = arith.addf %mul3A_134, %mul3A_143 : vector<384x384xf32>
      %get3A_145 = arith.constant 3 : index
      %get3A_146 = arith.constant 0 : index
      %get3A_147 = arith.constant 0 : index
      %get3A_148 = vector.load %arg3[%get3A_145, %get3A_146, %get3A_147] : memref<5x384x384xf32, #tpu.memory_space<vmem>>, vector<1x384x384xf32>
      %get3A_149 = vector.shape_cast %get3A_148 : vector<1x384x384xf32> to vector<384x384xf32>
      %get3A_150 = arith.constant 10 : index
      %get3A_151 = memref.load %arg7[%get3A_150] : memref<28xf32, #tpu.memory_space<smem>>
      %mul3A_152 = vector.broadcast %get3A_151 : f32 to vector<384x384xf32>
      %mul3A_153 = arith.mulf %get3A_149, %mul3A_152 : vector<384x384xf32>
      %add3A_154 = arith.addf %add3A_144, %mul3A_153 : vector<384x384xf32>
      %get3A_155 = arith.constant 4 : index
      %get3A_156 = arith.constant 0 : index
      %get3A_157 = arith.constant 0 : index
      %get3A_158 = vector.load %arg3[%get3A_155, %get3A_156, %get3A_157] : memref<5x384x384xf32, #tpu.memory_space<vmem>>, vector<1x384x384xf32>
      %get3A_159 = vector.shape_cast %get3A_158 : vector<1x384x384xf32> to vector<384x384xf32>
      %get3A_160 = arith.constant 11 : index
      %get3A_161 = memref.load %arg7[%get3A_160] : memref<28xf32, #tpu.memory_space<smem>>
      %mul3A_162 = vector.broadcast %get3A_161 : f32 to vector<384x384xf32>
      %mul3A_163 = arith.mulf %get3A_159, %mul3A_162 : vector<384x384xf32>
      %add3A_164 = arith.addf %add3A_154, %mul3A_163 : vector<384x384xf32>
      %convert_element_type3A_165 = arith.truncf %add3A_164 : vector<384x384xf32> to vector<384x384xbf16>
      %dot_general3A_166 = arith.constant dense<0.000000e+00> : vector<384x384xf32>
      %dot_general3A_167 = tpu.matmul %convert_element_type3A_165, %convert_element_type3A_110, %dot_general3A_166 {dimension_numbers = #tpu.dot_dimension_numbers<[1], [0], [0], [1], [0, 0, 1, 1], [], []>, transpose_lhs_hint = false} : vector<384x384xbf16>, vector<384x384xbf16>, vector<384x384xf32> -> vector<384x384xf32>
      %convert_element_type3A_168 = arith.truncf %dot_general3A_167 : vector<384x384xf32> to vector<384x384xbf16>
      %dot_general3A_169 = arith.constant dense<0.000000e+00> : vector<384x384xf32>
      %dot_general3A_170 = tpu.matmul %convert_element_type3A_106, %convert_element_type3A_168, %dot_general3A_169 {dimension_numbers = #tpu.dot_dimension_numbers<[1], [0], [0], [1], [0, 0, 1, 1], [], []>, transpose_lhs_hint = false} : vector<384x384xbf16>, vector<384x384xbf16>, vector<384x384xf32> -> vector<384x384xf32>
      %convert_element_type3A_171 = arith.truncf %dot_general3A_170 : vector<384x384xf32> to vector<384x384xbf16>
      %swap3A_172 = arith.constant 0 : index
      %swap3A_173 = arith.constant 0 : index
      %swap3A_174 = arith.constant 0 : index
      %swap3A_175 = vector.load %arg10[%swap3A_172, %swap3A_173, %swap3A_174] : memref<4x384x384xbf16, #tpu.memory_space<vmem>>, vector<1x384x384xbf16>
      %swap3A_176 = vector.shape_cast %swap3A_175 : vector<1x384x384xbf16> to vector<384x384xbf16>
      %swap3A_177 = vector.shape_cast %convert_element_type3A_171 : vector<384x384xbf16> to vector<1x384x384xbf16>
      tpu.vector_store %arg10[%swap3A_172, %swap3A_173, %swap3A_174], %swap3A_177 {strides = array<i32>} : memref<4x384x384xbf16, #tpu.memory_space<vmem>>, vector<1x384x384xbf16>,
      %get3A_178 = arith.constant 1 : index
      %get3A_179 = arith.constant 0 : index
      %get3A_180 = arith.constant 0 : index
      %get3A_181 = vector.load %arg3[%get3A_178, %get3A_179, %get3A_180] : memref<5x384x384xf32, #tpu.memory_space<vmem>>, vector<1x384x384xf32>
      %get3A_182 = vector.shape_cast %get3A_181 : vector<1x384x384xf32> to vector<384x384xf32>
      %get3A_183 = arith.constant 12 : index
      %get3A_184 = memref.load %arg7[%get3A_183] : memref<28xf32, #tpu.memory_space<smem>>
      %mul3A_185 = vector.broadcast %get3A_184 : f32 to vector<384x384xf32>
      %mul3A_186 = arith.mulf %get3A_182, %mul3A_185 : vector<384x384xf32>
      %get3A_187 = arith.constant 2 : index
      %get3A_188 = arith.constant 0 : index
      %get3A_189 = arith.constant 0 : index
      %get3A_190 = vector.load %arg3[%get3A_187, %get3A_188, %get3A_189] : memref<5x384x384xf32, #tpu.memory_space<vmem>>, vector<1x384x384xf32>
      %get3A_191 = vector.shape_cast %get3A_190 : vector<1x384x384xf32> to vector<384x384xf32>
      %get3A_192 = arith.constant 13 : index
      %get3A_193 = memref.load %arg7[%get3A_192] : memref<28xf32, #tpu.memory_space<smem>>
      %mul3A_194 = vector.broadcast %get3A_193 : f32 to vector<384x384xf32>
      %mul3A_195 = arith.mulf %get3A_191, %mul3A_194 : vector<384x384xf32>
      %add3A_196 = arith.addf %mul3A_186, %mul3A_195 : vector<384x384xf32>
      %get3A_197 = arith.constant 3 : index
      %get3A_198 = arith.constant 0 : index
      %get3A_199 = arith.constant 0 : index
      %get3A_200 = vector.load %arg3[%get3A_197, %get3A_198, %get3A_199] : memref<5x384x384xf32, #tpu.memory_space<vmem>>, vector<1x384x384xf32>
      %get3A_201 = vector.shape_cast %get3A_200 : vector<1x384x384xf32> to vector<384x384xf32>
      %get3A_202 = arith.constant 14 : index
      %get3A_203 = memref.load %arg7[%get3A_202] : memref<28xf32, #tpu.memory_space<smem>>
      %mul3A_204 = vector.broadcast %get3A_203 : f32 to vector<384x384xf32>
      %mul3A_205 = arith.mulf %get3A_201, %mul3A_204 : vector<384x384xf32>
      %add3A_206 = arith.addf %add3A_196, %mul3A_205 : vector<384x384xf32>
      %get3A_207 = arith.constant 4 : index
      %get3A_208 = arith.constant 0 : index
      %get3A_209 = arith.constant 0 : index
      %get3A_210 = vector.load %arg3[%get3A_207, %get3A_208, %get3A_209] : memref<5x384x384xf32, #tpu.memory_space<vmem>>, vector<1x384x384xf32>
      %get3A_211 = vector.shape_cast %get3A_210 : vector<1x384x384xf32> to vector<384x384xf32>
      %get3A_212 = arith.constant 15 : index
      %get3A_213 = memref.load %arg7[%get3A_212] : memref<28xf32, #tpu.memory_space<smem>>
      %mul3A_214 = vector.broadcast %get3A_213 : f32 to vector<384x384xf32>
      %mul3A_215 = arith.mulf %get3A_211, %mul3A_214 : vector<384x384xf32>
      %add3A_216 = arith.addf %add3A_206, %mul3A_215 : vector<384x384xf32>
      %convert_element_type3A_217 = arith.truncf %add3A_216 : vector<384x384xf32> to vector<384x384xbf16>
      %dot_general3A_218 = arith.constant dense<0.000000e+00> : vector<384x384xf32>
      %dot_general3A_219 = tpu.matmul %convert_element_type3A_217, %convert_element_type3A_110, %dot_general3A_218 {dimension_numbers = #tpu.dot_dimension_numbers<[1], [0], [0], [1], [0, 0, 1, 1], [], []>, transpose_lhs_hint = false} : vector<384x384xbf16>, vector<384x384xbf16>, vector<384x384xf32> -> vector<384x384xf32>
      %convert_element_type3A_220 = arith.truncf %dot_general3A_219 : vector<384x384xf32> to vector<384x384xbf16>
      %dot_general3A_221 = arith.constant dense<0.000000e+00> : vector<384x384xf32>
      %dot_general3A_222 = tpu.matmul %convert_element_type3A_106, %convert_element_type3A_220, %dot_general3A_221 {dimension_numbers = #tpu.dot_dimension_numbers<[1], [0], [0], [1], [0, 0, 1, 1], [], []>, transpose_lhs_hint = false} : vector<384x384xbf16>, vector<384x384xbf16>, vector<384x384xf32> -> vector<384x384xf32>
      %convert_element_type3A_223 = arith.truncf %dot_general3A_222 : vector<384x384xf32> to vector<384x384xbf16>
      %swap3A_224 = arith.constant 1 : index
      %swap3A_225 = arith.constant 0 : index
      %swap3A_226 = arith.constant 0 : index
      %swap3A_227 = vector.load %arg10[%swap3A_224, %swap3A_225, %swap3A_226] : memref<4x384x384xbf16, #tpu.memory_space<vmem>>, vector<1x384x384xbf16>
      %swap3A_228 = vector.shape_cast %swap3A_227 : vector<1x384x384xbf16> to vector<384x384xbf16>
      %swap3A_229 = vector.shape_cast %convert_element_type3A_223 : vector<384x384xbf16> to vector<1x384x384xbf16>
      tpu.vector_store %arg10[%swap3A_224, %swap3A_225, %swap3A_226], %swap3A_229 {strides = array<i32>} : memref<4x384x384xbf16, #tpu.memory_space<vmem>>, vector<1x384x384xbf16>,
      %get3A_230 = arith.constant 1 : index
      %get3A_231 = arith.constant 0 : index
      %get3A_232 = arith.constant 0 : index
      %get3A_233 = vector.load %arg3[%get3A_230, %get3A_231, %get3A_232] : memref<5x384x384xf32, #tpu.memory_space<vmem>>, vector<1x384x384xf32>
      %get3A_234 = vector.shape_cast %get3A_233 : vector<1x384x384xf32> to vector<384x384xf32>
      %get3A_235 = arith.constant 16 : index
      %get3A_236 = memref.load %arg7[%get3A_235] : memref<28xf32, #tpu.memory_space<smem>>
      %mul3A_237 = vector.broadcast %get3A_236 : f32 to vector<384x384xf32>
      %mul3A_238 = arith.mulf %get3A_234, %mul3A_237 : vector<384x384xf32>
      %get3A_239 = arith.constant 2 : index
      %get3A_240 = arith.constant 0 : index
      %get3A_241 = arith.constant 0 : index
      %get3A_242 = vector.load %arg3[%get3A_239, %get3A_240, %get3A_241] : memref<5x384x384xf32, #tpu.memory_space<vmem>>, vector<1x384x384xf32>
      %get3A_243 = vector.shape_cast %get3A_242 : vector<1x384x384xf32> to vector<384x384xf32>
      %get3A_244 = arith.constant 17 : index
      %get3A_245 = memref.load %arg7[%get3A_244] : memref<28xf32, #tpu.memory_space<smem>>
      %mul3A_246 = vector.broadcast %get3A_245 : f32 to vector<384x384xf32>
      %mul3A_247 = arith.mulf %get3A_243, %mul3A_246 : vector<384x384xf32>
      %add3A_248 = arith.addf %mul3A_238, %mul3A_247 : vector<384x384xf32>
      %get3A_249 = arith.constant 3 : index
      %get3A_250 = arith.constant 0 : index
      %get3A_251 = arith.constant 0 : index
      %get3A_252 = vector.load %arg3[%get3A_249, %get3A_250, %get3A_251] : memref<5x384x384xf32, #tpu.memory_space<vmem>>, vector<1x384x384xf32>
      %get3A_253 = vector.shape_cast %get3A_252 : vector<1x384x384xf32> to vector<384x384xf32>
      %get3A_254 = arith.constant 18 : index
      %get3A_255 = memref.load %arg7[%get3A_254] : memref<28xf32, #tpu.memory_space<smem>>
      %mul3A_256 = vector.broadcast %get3A_255 : f32 to vector<384x384xf32>
      %mul3A_257 = arith.mulf %get3A_253, %mul3A_256 : vector<384x384xf32>
      %add3A_258 = arith.addf %add3A_248, %mul3A_257 : vector<384x384xf32>
      %get3A_259 = arith.constant 4 : index
      %get3A_260 = arith.constant 0 : index
      %get3A_261 = arith.constant 0 : index
      %get3A_262 = vector.load %arg3[%get3A_259, %get3A_260, %get3A_261] : memref<5x384x384xf32, #tpu.memory_space<vmem>>, vector<1x384x384xf32>
      %get3A_263 = vector.shape_cast %get3A_262 : vector<1x384x384xf32> to vector<384x384xf32>
      %get3A_264 = arith.constant 19 : index
      %get3A_265 = memref.load %arg7[%get3A_264] : memref<28xf32, #tpu.memory_space<smem>>
      %mul3A_266 = vector.broadcast %get3A_265 : f32 to vector<384x384xf32>
      %mul3A_267 = arith.mulf %get3A_263, %mul3A_266 : vector<384x384xf32>
      %add3A_268 = arith.addf %add3A_258, %mul3A_267 : vector<384x384xf32>
      %convert_element_type3A_269 = arith.truncf %add3A_268 : vector<384x384xf32> to vector<384x384xbf16>
      %dot_general3A_270 = arith.constant dense<0.000000e+00> : vector<384x384xf32>
      %dot_general3A_271 = tpu.matmul %convert_element_type3A_269, %convert_element_type3A_110, %dot_general3A_270 {dimension_numbers = #tpu.dot_dimension_numbers<[1], [0], [0], [1], [0, 0, 1, 1], [], []>, transpose_lhs_hint = false} : vector<384x384xbf16>, vector<384x384xbf16>, vector<384x384xf32> -> vector<384x384xf32>
      %convert_element_type3A_272 = arith.truncf %dot_general3A_271 : vector<384x384xf32> to vector<384x384xbf16>
      %dot_general3A_273 = arith.constant dense<0.000000e+00> : vector<384x384xf32>
      %dot_general3A_274 = tpu.matmul %convert_element_type3A_106, %convert_element_type3A_272, %dot_general3A_273 {dimension_numbers = #tpu.dot_dimension_numbers<[1], [0], [0], [1], [0, 0, 1, 1], [], []>, transpose_lhs_hint = false} : vector<384x384xbf16>, vector<384x384xbf16>, vector<384x384xf32> -> vector<384x384xf32>
      %convert_element_type3A_275 = arith.truncf %dot_general3A_274 : vector<384x384xf32> to vector<384x384xbf16>
      %swap3A_276 = arith.constant 2 : index
      %swap3A_277 = arith.constant 0 : index
      %swap3A_278 = arith.constant 0 : index
      %swap3A_279 = vector.load %arg10[%swap3A_276, %swap3A_277, %swap3A_278] : memref<4x384x384xbf16, #tpu.memory_space<vmem>>, vector<1x384x384xbf16>
      %swap3A_280 = vector.shape_cast %swap3A_279 : vector<1x384x384xbf16> to vector<384x384xbf16>
      %swap3A_281 = vector.shape_cast %convert_element_type3A_275 : vector<384x384xbf16> to vector<1x384x384xbf16>
      tpu.vector_store %arg10[%swap3A_276, %swap3A_277, %swap3A_278], %swap3A_281 {strides = array<i32>} : memref<4x384x384xbf16, #tpu.memory_space<vmem>>, vector<1x384x384xbf16>,
      %get3A_282 = arith.constant 1 : index
      %get3A_283 = arith.constant 0 : index
      %get3A_284 = arith.constant 0 : index
      %get3A_285 = vector.load %arg3[%get3A_282, %get3A_283, %get3A_284] : memref<5x384x384xf32, #tpu.memory_space<vmem>>, vector<1x384x384xf32>
      %get3A_286 = vector.shape_cast %get3A_285 : vector<1x384x384xf32> to vector<384x384xf32>
      %get3A_287 = arith.constant 20 : index
      %get3A_288 = memref.load %arg7[%get3A_287] : memref<28xf32, #tpu.memory_space<smem>>
      %mul3A_289 = vector.broadcast %get3A_288 : f32 to vector<384x384xf32>
      %mul3A_290 = arith.mulf %get3A_286, %mul3A_289 : vector<384x384xf32>
      %get3A_291 = arith.constant 2 : index
      %get3A_292 = arith.constant 0 : index
      %get3A_293 = arith.constant 0 : index
      %get3A_294 = vector.load %arg3[%get3A_291, %get3A_292, %get3A_293] : memref<5x384x384xf32, #tpu.memory_space<vmem>>, vector<1x384x384xf32>
      %get3A_295 = vector.shape_cast %get3A_294 : vector<1x384x384xf32> to vector<384x384xf32>
      %get3A_296 = arith.constant 21 : index
      %get3A_297 = memref.load %arg7[%get3A_296] : memref<28xf32, #tpu.memory_space<smem>>
      %mul3A_298 = vector.broadcast %get3A_297 : f32 to vector<384x384xf32>
      %mul3A_299 = arith.mulf %get3A_295, %mul3A_298 : vector<384x384xf32>
      %add3A_300 = arith.addf %mul3A_290, %mul3A_299 : vector<384x384xf32>
      %get3A_301 = arith.constant 3 : index
      %get3A_302 = arith.constant 0 : index
      %get3A_303 = arith.constant 0 : index
      %get3A_304 = vector.load %arg3[%get3A_301, %get3A_302, %get3A_303] : memref<5x384x384xf32, #tpu.memory_space<vmem>>, vector<1x384x384xf32>
      %get3A_305 = vector.shape_cast %get3A_304 : vector<1x384x384xf32> to vector<384x384xf32>
      %get3A_306 = arith.constant 22 : index
      %get3A_307 = memref.load %arg7[%get3A_306] : memref<28xf32, #tpu.memory_space<smem>>
      %mul3A_308 = vector.broadcast %get3A_307 : f32 to vector<384x384xf32>
      %mul3A_309 = arith.mulf %get3A_305, %mul3A_308 : vector<384x384xf32>
      %add3A_310 = arith.addf %add3A_300, %mul3A_309 : vector<384x384xf32>
      %get3A_311 = arith.constant 4 : index
      %get3A_312 = arith.constant 0 : index
      %get3A_313 = arith.constant 0 : index
      %get3A_314 = vector.load %arg3[%get3A_311, %get3A_312, %get3A_313] : memref<5x384x384xf32, #tpu.memory_space<vmem>>, vector<1x384x384xf32>
      %get3A_315 = vector.shape_cast %get3A_314 : vector<1x384x384xf32> to vector<384x384xf32>
      %get3A_316 = arith.constant 23 : index
      %get3A_317 = memref.load %arg7[%get3A_316] : memref<28xf32, #tpu.memory_space<smem>>
      %mul3A_318 = vector.broadcast %get3A_317 : f32 to vector<384x384xf32>
      %mul3A_319 = arith.mulf %get3A_315, %mul3A_318 : vector<384x384xf32>
      %add3A_320 = arith.addf %add3A_310, %mul3A_319 : vector<384x384xf32>
      %convert_element_type3A_321 = arith.truncf %add3A_320 : vector<384x384xf32> to vector<384x384xbf16>
      %dot_general3A_322 = arith.constant dense<0.000000e+00> : vector<384x384xf32>
      %dot_general3A_323 = tpu.matmul %convert_element_type3A_321, %convert_element_type3A_110, %dot_general3A_322 {dimension_numbers = #tpu.dot_dimension_numbers<[1], [0], [0], [1], [0, 0, 1, 1], [], []>, transpose_lhs_hint = false} : vector<384x384xbf16>, vector<384x384xbf16>, vector<384x384xf32> -> vector<384x384xf32>
      %convert_element_type3A_324 = arith.truncf %dot_general3A_323 : vector<384x384xf32> to vector<384x384xbf16>
      %dot_general3A_325 = arith.constant dense<0.000000e+00> : vector<384x384xf32>
      %dot_general3A_326 = tpu.matmul %convert_element_type3A_106, %convert_element_type3A_324, %dot_general3A_325 {dimension_numbers = #tpu.dot_dimension_numbers<[1], [0], [0], [1], [0, 0, 1, 1], [], []>, transpose_lhs_hint = false} : vector<384x384xbf16>, vector<384x384xbf16>, vector<384x384xf32> -> vector<384x384xf32>
      %convert_element_type3A_327 = arith.truncf %dot_general3A_326 : vector<384x384xf32> to vector<384x384xbf16>
      %swap3A_328 = arith.constant 3 : index
      %swap3A_329 = arith.constant 0 : index
      %swap3A_330 = arith.constant 0 : index
      %swap3A_331 = vector.load %arg10[%swap3A_328, %swap3A_329, %swap3A_330] : memref<4x384x384xbf16, #tpu.memory_space<vmem>>, vector<1x384x384xbf16>
      %swap3A_332 = vector.shape_cast %swap3A_331 : vector<1x384x384xbf16> to vector<384x384xbf16>
      %swap3A_333 = vector.shape_cast %convert_element_type3A_327 : vector<384x384xbf16> to vector<1x384x384xbf16>
      tpu.vector_store %arg10[%swap3A_328, %swap3A_329, %swap3A_330], %swap3A_333 {strides = array<i32>} : memref<4x384x384xbf16, #tpu.memory_space<vmem>>, vector<1x384x384xbf16>,
      %get3A_334 = arith.constant 0 : index
      %get3A_335 = arith.constant 0 : index
      %get3A_336 = vector.load %arg5[%get3A_334, %get3A_335] : memref<1x384xf32, #tpu.memory_space<vmem>>, vector<1x384xf32>
      %get3A_337 = arith.constant 24 : index
      %get3A_338 = memref.load %arg7[%get3A_337] : memref<28xf32, #tpu.memory_space<smem>>
      %get3A_339 = arith.constant 1 : index
      %get3A_340 = arith.constant 0 : index
      %get3A_341 = arith.constant 0 : index
      %get3A_342 = vector.load %arg3[%get3A_339, %get3A_340, %get3A_341] : memref<5x384x384xf32, #tpu.memory_space<vmem>>, vector<1x384x384xf32>
      %get3A_343 = vector.shape_cast %get3A_342 : vector<1x384x384xf32> to vector<384x384xf32>
      %reduce_sum3A = arith.constant dense<0.000000e+00> : vector<384xf32>
      %reduce_sum3A_344 = vector.multi_reduction <add>, %get3A_343, %reduce_sum3A [0] : vector<384x384xf32> to vector<384xf32>
      %broadcast_in_dim3A = vector.shape_cast %reduce_sum3A_344 : vector<384xf32> to vector<1x384xf32>
      %mul3A_345 = vector.broadcast %get3A_338 : f32 to vector<1x384xf32>
      %mul3A_346 = arith.mulf %mul3A_345, %broadcast_in_dim3A : vector<1x384xf32>
      %add3A_347 = arith.addf %get3A_336, %mul3A_346 : vector<1x384xf32>
      %get3A_348 = arith.constant 25 : index
      %get3A_349 = memref.load %arg7[%get3A_348] : memref<28xf32, #tpu.memory_space<smem>>
      %get3A_350 = arith.constant 2 : index
      %get3A_351 = arith.constant 0 : index
      %get3A_352 = arith.constant 0 : index
      %get3A_353 = vector.load %arg3[%get3A_350, %get3A_351, %get3A_352] : memref<5x384x384xf32, #tpu.memory_space<vmem>>, vector<1x384x384xf32>
      %get3A_354 = vector.shape_cast %get3A_353 : vector<1x384x384xf32> to vector<384x384xf32>
      %reduce_sum3A_355 = arith.constant dense<0.000000e+00> : vector<384xf32>
      %reduce_sum3A_356 = vector.multi_reduction <add>, %get3A_354, %reduce_sum3A_355 [0] : vector<384x384xf32> to vector<384xf32>
      %broadcast_in_dim3A_357 = vector.shape_cast %reduce_sum3A_356 : vector<384xf32> to vector<1x384xf32>
      %mul3A_358 = vector.broadcast %get3A_349 : f32 to vector<1x384xf32>
      %mul3A_359 = arith.mulf %mul3A_358, %broadcast_in_dim3A_357 : vector<1x384xf32>
      %add3A_360 = arith.addf %add3A_347, %mul3A_359 : vector<1x384xf32>
      %get3A_361 = arith.constant 26 : index
      %get3A_362 = memref.load %arg7[%get3A_361] : memref<28xf32, #tpu.memory_space<smem>>
      %get3A_363 = arith.constant 3 : index
      %get3A_364 = arith.constant 0 : index
      %get3A_365 = arith.constant 0 : index
      %get3A_366 = vector.load %arg3[%get3A_363, %get3A_364, %get3A_365] : memref<5x384x384xf32, #tpu.memory_space<vmem>>, vector<1x384x384xf32>
      %get3A_367 = vector.shape_cast %get3A_366 : vector<1x384x384xf32> to vector<384x384xf32>
      %reduce_sum3A_368 = arith.constant dense<0.000000e+00> : vector<384xf32>
      %reduce_sum3A_369 = vector.multi_reduction <add>, %get3A_367, %reduce_sum3A_368 [0] : vector<384x384xf32> to vector<384xf32>
      %broadcast_in_dim3A_370 = vector.shape_cast %reduce_sum3A_369 : vector<384xf32> to vector<1x384xf32>
      %mul3A_371 = vector.broadcast %get3A_362 : f32 to vector<1x384xf32>
      %mul3A_372 = arith.mulf %mul3A_371, %broadcast_in_dim3A_370 : vector<1x384xf32>
      %add3A_373 = arith.addf %add3A_360, %mul3A_372 : vector<1x384xf32>
      %get3A_374 = arith.constant 27 : index
      %get3A_375 = memref.load %arg7[%get3A_374] : memref<28xf32, #tpu.memory_space<smem>>
      %get3A_376 = arith.constant 4 : index
      %get3A_377 = arith.constant 0 : index
      %get3A_378 = arith.constant 0 : index
      %get3A_379 = vector.load %arg3[%get3A_376, %get3A_377, %get3A_378] : memref<5x384x384xf32, #tpu.memory_space<vmem>>, vector<1x384x384xf32>
      %get3A_380 = vector.shape_cast %get3A_379 : vector<1x384x384xf32> to vector<384x384xf32>
      %reduce_sum3A_381 = arith.constant dense<0.000000e+00> : vector<384xf32>
      %reduce_sum3A_382 = vector.multi_reduction <add>, %get3A_380, %reduce_sum3A_381 [0] : vector<384x384xf32> to vector<384xf32>
      %broadcast_in_dim3A_383 = vector.shape_cast %reduce_sum3A_382 : vector<384xf32> to vector<1x384xf32>
      %mul3A_384 = vector.broadcast %get3A_375 : f32 to vector<1x384xf32>
      %mul3A_385 = arith.mulf %mul3A_384, %broadcast_in_dim3A_383 : vector<1x384xf32>
      %add3A_386 = arith.addf %add3A_373, %mul3A_385 : vector<1x384xf32>
      %convert_element_type3A_387 = arith.truncf %add3A_386 : vector<1x384xf32> to vector<1x384xbf16>
      %dot_general3A_388 = arith.constant dense<0.000000e+00> : vector<1x384xf32>
      %dot_general3A_389 = tpu.matmul %convert_element_type3A_387, %convert_element_type3A_110, %dot_general3A_388 {dimension_numbers = #tpu.dot_dimension_numbers<[1], [0], [0], [1], [0, 0, 1, 1], [], []>, transpose_lhs_hint = false} : vector<1x384xbf16>, vector<384x384xbf16>, vector<1x384xf32> -> vector<1x384xf32>
      %get3A_390 = arith.constant 0 : index
      %get3A_391 = arith.constant 0 : index
      %get3A_392 = vector.load %arg6[%get3A_390, %get3A_391] : memref<1x384xf32, #tpu.memory_space<vmem>>, vector<1x384xf32>
      %add3A_393 = arith.addf %dot_general3A_389, %get3A_392 : vector<1x384xf32>
      %swap3A_394 = arith.constant 0 : index
      %swap3A_395 = arith.constant 0 : index
      %swap3A_396 = vector.load %arg11[%swap3A_394, %swap3A_395] : memref<1x384xf32, #tpu.memory_space<vmem>>, vector<1x384xf32>
      tpu.vector_store %arg11[%swap3A_394, %swap3A_395], %add3A_393 {strides = array<i32>} : memref<1x384xf32, #tpu.memory_space<vmem>>, vector<1x384xf32>,
    } else {
    }
    %get3A = arith.constant 0 : index
    %get3A_2 = arith.constant 0 : index
    %get3A_3 = vector.load %arg1[%get3A, %get3A_2] : memref<384x384xbf16, #tpu.memory_space<vmem>>, vector<384x384xbf16>
    %get3A_4 = arith.constant 0 : index
    %get3A_5 = arith.constant 0 : index
    %get3A_6 = vector.load %arg9[%get3A_4, %get3A_5] : memref<384x768xbf16, #tpu.memory_space<vmem>>, vector<384x768xbf16>
    %dot_general3A = arith.constant dense<0.000000e+00> : vector<384x768xf32>
    %dot_general3A_7 = tpu.matmul %get3A_3, %get3A_6, %dot_general3A {dimension_numbers = #tpu.dot_dimension_numbers<[1], [0], [0], [1], [0, 0, 1, 1], [], []>, transpose_lhs_hint = false} : vector<384x384xbf16>, vector<384x768xbf16>, vector<384x768xf32> -> vector<384x768xf32>
    %slice3A = vector.extract_strided_slice %dot_general3A_7 {offsets = [0, 0], sizes = [384, 384], strides = [1, 1]} : vector<384x768xf32> to vector<384x384xf32>
    %slice3A_8 = vector.extract_strided_slice %dot_general3A_7 {offsets = [0, 384], sizes = [384, 384], strides = [1, 1]} : vector<384x768xf32> to vector<384x384xf32>
    %get3A_9 = arith.constant 0 : index
    %get3A_10 = arith.constant 0 : index
    %get3A_11 = vector.load %arg11[%get3A_9, %get3A_10] : memref<1x384xf32, #tpu.memory_space<vmem>>, vector<1x384xf32>
    %add3A = vector.broadcast %get3A_11 : vector<1x384xf32> to vector<384x384xf32>
    %add3A_12 = arith.addf %slice3A_8, %add3A : vector<384x384xf32>
    %get3A_13 = arith.constant 0 : index
    %get3A_14 = memref.load %arg7[%get3A_13] : memref<28xf32, #tpu.memory_space<smem>>
    %mul3A = vector.broadcast %get3A_14 : f32 to vector<384x384xf32>
    %mul3A_15 = arith.mulf %slice3A, %mul3A : vector<384x384xf32>
    %get3A_16 = arith.constant 4 : index
    %get3A_17 = memref.load %arg7[%get3A_16] : memref<28xf32, #tpu.memory_space<smem>>
    %add3A_18 = vector.broadcast %get3A_17 : f32 to vector<384x384xf32>
    %add3A_19 = arith.addf %mul3A_15, %add3A_18 : vector<384x384xf32>
    %max3A = arith.constant 0.000000e+00 : f32
    %max3A_20 = vector.broadcast %max3A : f32 to vector<384x384xf32>
    %max3A_21 = arith.maximumf %add3A_19, %max3A_20 : vector<384x384xf32>
    %convert_element_type3A_22 = arith.truncf %max3A_21 : vector<384x384xf32> to vector<384x384xbf16>
    %get3A_23 = arith.constant 0 : index
    %get3A_24 = arith.constant 0 : index
    %get3A_25 = arith.constant 0 : index
    %get3A_26 = vector.load %arg10[%get3A_23, %get3A_24, %get3A_25] : memref<4x384x384xbf16, #tpu.memory_space<vmem>>, vector<1x384x384xbf16>
    %get3A_27 = vector.shape_cast %get3A_26 : vector<1x384x384xbf16> to vector<384x384xbf16>
    %dot_general3A_28 = arith.constant dense<0.000000e+00> : vector<384x384xf32>
    %dot_general3A_29 = tpu.matmul %convert_element_type3A_22, %get3A_27, %dot_general3A_28 {dimension_numbers = #tpu.dot_dimension_numbers<[1], [0], [0], [1], [0, 0, 1, 1], [], []>, transpose_lhs_hint = false} : vector<384x384xbf16>, vector<384x384xbf16>, vector<384x384xf32> -> vector<384x384xf32>
    %add3A_30 = arith.addf %add3A_12, %dot_general3A_29 : vector<384x384xf32>
    %get3A_31 = arith.constant 1 : index
    %get3A_32 = memref.load %arg7[%get3A_31] : memref<28xf32, #tpu.memory_space<smem>>
    %mul3A_33 = vector.broadcast %get3A_32 : f32 to vector<384x384xf32>
    %mul3A_34 = arith.mulf %slice3A, %mul3A_33 : vector<384x384xf32>
    %get3A_35 = arith.constant 5 : index
    %get3A_36 = memref.load %arg7[%get3A_35] : memref<28xf32, #tpu.memory_space<smem>>
    %add3A_37 = vector.broadcast %get3A_36 : f32 to vector<384x384xf32>
    %add3A_38 = arith.addf %mul3A_34, %add3A_37 : vector<384x384xf32>
    %max3A_39 = arith.constant 0.000000e+00 : f32
    %max3A_40 = vector.broadcast %max3A_39 : f32 to vector<384x384xf32>
    %max3A_41 = arith.maximumf %add3A_38, %max3A_40 : vector<384x384xf32>
    %convert_element_type3A_42 = arith.truncf %max3A_41 : vector<384x384xf32> to vector<384x384xbf16>
    %get3A_43 = arith.constant 1 : index
    %get3A_44 = arith.constant 0 : index
    %get3A_45 = arith.constant 0 : index
    %get3A_46 = vector.load %arg10[%get3A_43, %get3A_44, %get3A_45] : memref<4x384x384xbf16, #tpu.memory_space<vmem>>, vector<1x384x384xbf16>
    %get3A_47 = vector.shape_cast %get3A_46 : vector<1x384x384xbf16> to vector<384x384xbf16>
    %dot_general3A_48 = arith.constant dense<0.000000e+00> : vector<384x384xf32>
    %dot_general3A_49 = tpu.matmul %convert_element_type3A_42, %get3A_47, %dot_general3A_48 {dimension_numbers = #tpu.dot_dimension_numbers<[1], [0], [0], [1], [0, 0, 1, 1], [], []>, transpose_lhs_hint = false} : vector<384x384xbf16>, vector<384x384xbf16>, vector<384x384xf32> -> vector<384x384xf32>
    %add3A_50 = arith.addf %add3A_30, %dot_general3A_49 : vector<384x384xf32>
    %get3A_51 = arith.constant 2 : index
    %get3A_52 = memref.load %arg7[%get3A_51] : memref<28xf32, #tpu.memory_space<smem>>
    %mul3A_53 = vector.broadcast %get3A_52 : f32 to vector<384x384xf32>
    %mul3A_54 = arith.mulf %slice3A, %mul3A_53 : vector<384x384xf32>
    %get3A_55 = arith.constant 6 : index
    %get3A_56 = memref.load %arg7[%get3A_55] : memref<28xf32, #tpu.memory_space<smem>>
    %add3A_57 = vector.broadcast %get3A_56 : f32 to vector<384x384xf32>
    %add3A_58 = arith.addf %mul3A_54, %add3A_57 : vector<384x384xf32>
    %max3A_59 = arith.constant 0.000000e+00 : f32
    %max3A_60 = vector.broadcast %max3A_59 : f32 to vector<384x384xf32>
    %max3A_61 = arith.maximumf %add3A_58, %max3A_60 : vector<384x384xf32>
    %convert_element_type3A_62 = arith.truncf %max3A_61 : vector<384x384xf32> to vector<384x384xbf16>
    %get3A_63 = arith.constant 2 : index
    %get3A_64 = arith.constant 0 : index
    %get3A_65 = arith.constant 0 : index
    %get3A_66 = vector.load %arg10[%get3A_63, %get3A_64, %get3A_65] : memref<4x384x384xbf16, #tpu.memory_space<vmem>>, vector<1x384x384xbf16>
    %get3A_67 = vector.shape_cast %get3A_66 : vector<1x384x384xbf16> to vector<384x384xbf16>
    %dot_general3A_68 = arith.constant dense<0.000000e+00> : vector<384x384xf32>
    %dot_general3A_69 = tpu.matmul %convert_element_type3A_62, %get3A_67, %dot_general3A_68 {dimension_numbers = #tpu.dot_dimension_numbers<[1], [0], [0], [1], [0, 0, 1, 1], [], []>, transpose_lhs_hint = false} : vector<384x384xbf16>, vector<384x384xbf16>, vector<384x384xf32> -> vector<384x384xf32>
    %add3A_70 = arith.addf %add3A_50, %dot_general3A_69 : vector<384x384xf32>
    %get3A_71 = arith.constant 3 : index
    %get3A_72 = memref.load %arg7[%get3A_71] : memref<28xf32, #tpu.memory_space<smem>>
    %mul3A_73 = vector.broadcast %get3A_72 : f32 to vector<384x384xf32>
    %mul3A_74 = arith.mulf %slice3A, %mul3A_73 : vector<384x384xf32>
    %get3A_75 = arith.constant 7 : index
    %get3A_76 = memref.load %arg7[%get3A_75] : memref<28xf32, #tpu.memory_space<smem>>
    %add3A_77 = vector.broadcast %get3A_76 : f32 to vector<384x384xf32>
    %add3A_78 = arith.addf %mul3A_74, %add3A_77 : vector<384x384xf32>
    %max3A_79 = arith.constant 0.000000e+00 : f32
    %max3A_80 = vector.broadcast %max3A_79 : f32 to vector<384x384xf32>
    %max3A_81 = arith.maximumf %add3A_78, %max3A_80 : vector<384x384xf32>
    %convert_element_type3A_82 = arith.truncf %max3A_81 : vector<384x384xf32> to vector<384x384xbf16>
    %get3A_83 = arith.constant 3 : index
    %get3A_84 = arith.constant 0 : index
    %get3A_85 = arith.constant 0 : index
    %get3A_86 = vector.load %arg10[%get3A_83, %get3A_84, %get3A_85] : memref<4x384x384xbf16, #tpu.memory_space<vmem>>, vector<1x384x384xbf16>
    %get3A_87 = vector.shape_cast %get3A_86 : vector<1x384x384xbf16> to vector<384x384xbf16>
    %dot_general3A_88 = arith.constant dense<0.000000e+00> : vector<384x384xf32>
    %dot_general3A_89 = tpu.matmul %convert_element_type3A_82, %get3A_87, %dot_general3A_88 {dimension_numbers = #tpu.dot_dimension_numbers<[1], [0], [0], [1], [0, 0, 1, 1], [], []>, transpose_lhs_hint = false} : vector<384x384xbf16>, vector<384x384xbf16>, vector<384x384xf32> -> vector<384x384xf32>
    %add3A_90 = arith.addf %add3A_70, %dot_general3A_89 : vector<384x384xf32>
    %slice3A_91 = vector.extract_strided_slice %add3A_90 {offsets = [0, 0], sizes = [384, 325], strides = [1, 1]} : vector<384x384xf32> to vector<384x325xf32>
    %reshape3A = vector.shape_cast %slice3A_91 : vector<384x325xf32> to vector<4x96x325xf32>
    %swap3A = arith.constant 0 : index
    %swap3A_92 = arith.constant 0 : index
    %swap3A_93 = arith.constant 0 : index
    %swap3A_94 = vector.load %arg8[%swap3A, %swap3A_92, %swap3A_93] : memref<4x96x325xf32, #tpu.memory_space<vmem>>, vector<4x96x325xf32>
    tpu.vector_store %arg8[%swap3A, %swap3A_92, %swap3A_93], %reshape3A {strides = array<i32>} : memref<4x96x325xf32, #tpu.memory_space<vmem>>, vector<4x96x325xf32>,
    return
  }
  func.func @transform_0(%arg0: i32) -> (i32, i32) {
    %c0_i32 = arith.constant 0 : i32
    %c0_i32_0 = arith.constant 0 : i32
    return %arg0, %c0_i32 : i32, i32
  }
  func.func @transform_1(%arg0: i32) -> (i32, i32, i32) {
    %c0_i32 = arith.constant 0 : i32
    %c0_i32_0 = arith.constant 0 : i32
    %c0_i32_1 = arith.constant 0 : i32
    %c0_i32_2 = arith.constant 0 : i32
    return %c0_i32, %c0_i32_0, %c0_i32_1 : i32, i32, i32
  }
  func.func @transform_2(%arg0: i32) -> (i32, i32, i32) {
    %c0_i32 = arith.constant 0 : i32
    %c0_i32_0 = arith.constant 0 : i32
    %c0_i32_1 = arith.constant 0 : i32
    %c0_i32_2 = arith.constant 0 : i32
    return %c0_i32, %c0_i32_0, %c0_i32_1 : i32, i32, i32
  }
  func.func @transform_3(%arg0: i32) -> (i32, i32) {
    %c0_i32 = arith.constant 0 : i32
    %c0_i32_0 = arith.constant 0 : i32
    %c0_i32_1 = arith.constant 0 : i32
    return %c0_i32, %c0_i32_0 : i32, i32
  }
  func.func @transform_4(%arg0: i32) -> (i32, i32) {
    %c0_i32 = arith.constant 0 : i32
    %c0_i32_0 = arith.constant 0 : i32
    %c0_i32_1 = arith.constant 0 : i32
    return %c0_i32, %c0_i32_0 : i32, i32
  }
  func.func @transform_5(%arg0: i32) -> (i32, i32) {
    %c0_i32 = arith.constant 0 : i32
    %c0_i32_0 = arith.constant 0 : i32
    %c0_i32_1 = arith.constant 0 : i32
    return %c0_i32, %c0_i32_0 : i32, i32
  }
  func.func @transform_6(%arg0: i32) -> i32 {
    %c0_i32 = arith.constant 0 : i32
    %c0_i32_0 = arith.constant 0 : i32
    return %c0_i32 : i32
  }
  func.func @transform_7(%arg0: i32) -> (i32, i32, i32) {
    %c0_i32 = arith.constant 0 : i32
    %c0_i32_0 = arith.constant 0 : i32
    %c0_i32_1 = arith.constant 0 : i32
    return %arg0, %c0_i32, %c0_i32_0 : i32, i32, i32
  }
}

</mosaic_0001>

<sc_bundles>
// kernel: kernel.4.cloned.1.call-start
scs
__scs_entry_jumppad:
0x0: {  	(pc) =	sbr.rel $0x88, $3  }
0x1: {  	(tag) =	ssettag $0x0;
	lr =	simm.s32 $0x1  }
0x2: {  	[smem:$0x3F97] =	sst lr;
	_ =	strace $0xD0000000  }
0x3: {  	_ = 	snop  }
0x4: {  	_ = 	snop  }
0x5: {  	_ = 	snop  }
0x6: {  	_ = 	snop  }
0x7: {  	_ = 	snop  }
__scs_overlays_trampoline_lowered:
0x8: {  	[smem:$0x3FA6] =	sst s0  }
0x9: {  	[smem:$0x3FA7] =	sst s1  }
0xa: {  	[smem:$0x3FA8] =	sst s2  }
0xb: {  	[smem:$0x3FA9] =	sst s3  }
0xc: {  	[smem:$0x3FAA] =	sst s4  }
0xd: {  	[smem:$0x3FAB] =	sst s5  }
0xe: {  	[smem:$0x3FAC] =	sst s6  }
0xf: {  	[smem:$0x3FAD] =	sst s7  }
0x10: {  	[smem:$0x3FAE] =	sst s8  }
0x11: {  	[smem:$0x3FAF] =	sst s9;
	s0 =	simm.s32 @!p0 $0x0  }
0x12: {  	s1 =	sld [smem:$0x3F95];
	s0 =	simm.s32 @p0 $0x1  }
0x13: {  	[smem:$0x3FB0] =	sst s0;
	s0 =	simm.s32 @!p1 $0x0  }
0x14: {  	s2 =	sld [smem:$0x3F94];
	s0 =	simm.s32 @p1 $0x1  }
0x15: {  	[smem:$0x3FB1] =	sst s0;
	s0 =	simm.s32 @!p2 $0x0  }
0x16: {  	s3 =	sld [smem:$0x3FDB];
	s0 =	simm.s32 @p2 $0x1  }
0x17: {  	s4 =	simm.s32 $0x1BF5;
	[smem:$0x3FB3] =	sst s0  }
0x18: {  	s0 =	sld [smem:$0x3F96];
	_ =	swait.ge [sflag:s4], $0x0  }
0x19: {  	s7 =	sld [smem:$0x3F97]  }
0x1a: {  	s8 =	sadd.s32 $0xFFFFE003, lr  }
0x1b: {  	s9 =	sadd.s32 $0xFFFFFEF7, lr;
	s5 =	simm.s32 $0xFFFFFFFF;
	p2 =	slt.u32 s8, $0xFFFFF086  }
0x1c: {  	p1 =	slt.u32 s9, $0xF7A;
	s5 =	simm.s32 @!p2 $0x0  }
0x1d: {  	s5 =	simm.s32 @p1 $0x1;
	p0 =	seq.s32 s7, s2  }
0x1e: {  	s7 =	smul.u32 @!p0 $0xF7A, s2;
	p2 =	seq.s32 @!p0 s5, $0x0  }
0x1f: {  	s9 =	smul.u32 $0xF7A, s1;
	s8 =	simm.s32 @!p0 $0x1BF5;
	p2 =	por !p2, p0  }
0x20: {  	[sflag:s8] =	ssyncset.s32 @!p0 $0xFFFFF086;
	s6 =	sadd.s32 @!p0 s3, s7;
	s7 =	simm.s32 @!p0 $0x108  }
0x21: {  	s3 =	sadd.s32 s3, s9;
	s6 =	sadd.s32 @!p0 $0x88, s6;
	s7 =	simm.s32 @p2 $0x1082  }
0x22: {  	[simem:s7], [sflag:s8] =	dma.local @!p0 [hbm:s6], $0xF7A  }
0x23: {  	s9 =	sor.u32 $0xD0000000, s2;
	s6 =	simm.s32 $0x108;
	_ =	swait.ge @!p0 [sflag:s8], $0x0  }
0x24: {  	s3 =	sadd.s32 $0x88, s3;
	s6 =	simm.s32 @!p1 $0x1082;
	[sflag:s4] =	ssyncset.s32 $0xFFFFF086  }
0x25: {  	[simem:s6], [sflag:s4] =	dma.local [hbm:s3], $0xF7A  }
0x26: {  	[smem:$0x3F97] =	sst s1;
	(tag) =	ssettag s2;
	_ =	strace s9  }
0x27: {  	s1 =	sld [smem:$0x3FA7]  }
0x28: {  	s2 =	sld [smem:$0x3FA8]  }
0x29: {  	s4 =	sld [smem:$0x3FAA]  }
0x2a: {  	p0 =	seq.s32 s5, $0x0;
	s5 =	sld [smem:$0x3FAB]  }
0x2b: {  	s6 =	sld [smem:$0x3FAC]  }
0x2c: {  	s7 =	sld [smem:$0x3FAD]  }
0x2d: {  	s3 =	simm.s32 $0x108;
	s8 =	sld [smem:$0x3FAE]  }
0x2e: {  	s3 =	simm.s32 @!p0 $0x1082;
	s9 =	sld [smem:$0x3FAF]  }
0x2f: {  	lr =	sadd.s32 s0, s3;
	s0 =	sld [smem:$0x3FA6]  }
0x30: {  	s3 =	sld [smem:$0x3FA9]  }
0x31: {  	[smem:$0x3FB2] =	sst s10  }
0x32: {  	s10 =	sld [smem:$0x3FB0];
	_ =	sdelay $0x3  }
0x33: {  	p0 =	seq.s32 s10, $0x1;
	s10 =	sld [smem:$0x3FB2];
	_ =	sdelay $0x3  }
0x34: {  	[smem:$0x3FB2] =	sst s10  }
0x35: {  	s10 =	sld [smem:$0x3FB1];
	_ =	sdelay $0x3  }
0x36: {  	p1 =	seq.s32 s10, $0x1;
	s10 =	sld [smem:$0x3FB2];
	_ =	sdelay $0x3  }
0x37: {  	[smem:$0x3FB2] =	sst s10  }
0x38: {  	s10 =	sld [smem:$0x3FB3]  }
0x39: {  	_ = 	snop;
	(pc) =	sbr.ind lr, $3  }
0x3a: {  	_ = 	snop  }
0x3b: {  	_ = 	snop  }
0x3c: {  	p2 =	seq.s32 s10, $0x1;
	s10 =	sld [smem:$0x3FB2]  }
0x3d: {  	_ =	shalt  }
0x3e: {  	_ =	shalt  }
0x3f: {  	_ =	shalt  }
0x40: {  	_ =	shalt  }
0x41: {  	_ =	shalt  }
0x42: {  	_ =	shalt  }
0x43: {  	_ =	shalt  }
0x44: {  	_ =	shalt  }
0x45: {  	_ =	shalt  }
0x46: {  	_ =	shalt  }
0x47: {  	_ =	shalt  }
0x48: {  	_ =	shalt  }
0x49: {  	_ =	shalt  }
0x4a: {  	_ =	shalt  }
0x4b: {  	_ =	shalt  }
0x4c: {  	_ =	shalt  }
0x4d: {  	_ =	shalt  }
0x4e: {  	_ =	shalt  }
0x4f: {  	_ =	shalt  }
0x50: {  	_ =	shalt  }
0x51: {  	_ =	shalt  }
0x52: {  	_ =	shalt  }
0x53: {  	_ =	shalt  }
0x54: {  	_ =	shalt  }
0x55: {  	_ =	shalt  }
0x56: {  	_ =	shalt  }
0x57: {  	_ =	shalt  }
0x58: {  	_ =	shalt  }
0x59: {  	_ =	shalt  }
0x5a: {  	_ =	shalt  }
0x5b: {  	_ =	shalt  }
0x5c: {  	_ =	shalt  }
0x5d: {  	_ =	shalt  }
0x5e: {  	_ =	shalt  }
0x5f: {  	_ =	shalt  }
0x60: {  	_ =	shalt  }
0x61: {  	_ =	shalt  }
0x62: {  	_ =	shalt  }
0x63: {  	_ =	shalt  }
0x64: {  	_ =	shalt  }
0x65: {  	_ =	shalt  }
0x66: {  	_ =	shalt  }
0x67: {  	_ =	shalt  }
0x68: {  	_ =	shalt  }
0x69: {  	_ =	shalt  }
0x6a: {  	_ =	shalt  }
0x6b: {  	_ =	shalt  }
0x6c: {  	_ =	shalt  }
0x6d: {  	_ =	shalt  }
0x6e: {  	_ =	shalt  }
0x6f: {  	_ =	shalt  }
0x70: {  	_ =	shalt  }
0x71: {  	_ =	shalt  }
0x72: {  	_ =	shalt  }
0x73: {  	_ =	shalt  }
0x74: {  	_ =	shalt  }
0x75: {  	_ =	shalt  }
0x76: {  	_ =	shalt  }
0x77: {  	_ =	shalt  }
0x78: {  	_ =	shalt  }
0x79: {  	_ =	shalt  }
0x7a: {  	_ =	shalt  }
0x7b: {  	_ =	shalt  }
0x7c: {  	_ =	shalt  }
0x7d: {  	_ =	shalt  }
0x7e: {  	_ =	shalt  }
0x7f: {  	_ =	shalt  }
0x80: {  	_ =	shalt  }
0x81: {  	_ =	shalt  }
0x82: {  	_ =	shalt  }
0x83: {  	_ =	shalt  }
0x84: {  	_ =	shalt  }
0x85: {  	_ =	shalt  }
0x86: {  	_ =	shalt  }
0x87: {  	_ =	shalt  }
.Lfunc_end0:
.L_simem_size_0:
called_computation_lowered:
.L_overlay_start_0:
0x88: {  	s2 =	sld [smem:$0x3FD9]  }
0x89: {  	s3 =	sld [smem:$0x3FFE];
	_ =	sdelay $0x1  }
0x8a: {  	s1 =	srdreg.scid  }
0x8b: {  	s0 =	sand.u32 $0x1, s1  }
0x8c: {  	s17 =	sshll.u32 s0, $0xA;
	s2 =	sadd.s32 s3, s2  }
0x8d: {  	s2 =	sadd.s32 s2, s17  }
0x8e: {  	[smem:$0x3FBE] =	sst s2  }
0x8f: {  	_ = 	snop  }
0x90: {  	s2 =	sld [smem:$0x3FC8]  }
0x91: {  	s18 =	sld [smem:$0x3FD0];
	(tm) =	ssettm $0x1  }
0x92: {  	s4 =	sld [smem:$0x3FFB];
	_ =	sdelay $0x3  }
0x93: {  	_ =	strace s4  }
0x94: {  	s4 =	sld [smem:$0x3FFC];
	_ =	sdelay $0x3  }
0x95: {  	_ =	strace s4  }
0x96: {  	s4 =	sld [smem:$0x3FFD];
	_ =	sdelay $0x3  }
0x97: {  	_ =	strace s4  }
0x98: {  	_ =	strace $0x8FFFFFFF  }
0x99: {  	s19 =	sld [smem:$0x3FDB];
	_ =	sdelay $0x1  }
0x9a: {  	s5 =	simm.s32 $_scs_section_size  }
0x9b: {  	s6 =	simm.s32 $_size__tile_overlayer_lowered;
	s7 =	simm.s32 $_tile_overlayer_lowered  }
0x9c: {  	s22 =	simm.s32 $0x1BFF;
	s21 =	sshll.u32 s7, $0x1;
	s4 =	sadd.s32 s5, s19  }
0x9d: {  	s8 =	simm.s32 $0x0;
	s20 =	sshll.u32 s6, $0x1;
	s6 =	sadd.s32 s21, s4  }
0x9e: {  	[timem:s8], [sflag:s22] =	dma.local [hbm:s6], s20  }
0x9f: {  	_ =	swait.ge [sflag:s22], s20  }
0xa0: {  	s5 =	ssub.s32 $0x0, s20;
	[sflag:s22] =	ssyncset.done $0x0  }
0xa1: {  	[sflag:s22] =	ssyncadd.s32 s5;
	_ =	sdelay $0x1  }
0xa2: {  	s23 =	simm.s32 $0x1B8B  }
0xa3: {  	_ =	swait.ge [sflag:s23], $0x1  }
0xa4: {  	[sflag:s23] =	ssyncset.done $0x0  }
0xa5: {  	s25 =	simm.s32 $0x1B8E;
	s24 =	sld [smem:$0x3FFE];
	[sflag:s23] =	ssyncadd.s32 $0xFFFFFFFF  }
0xa6: {  	s26 =	simm.s32 $execute0_lowered;
	[smem:$0x3FD2] =	sst s25  }
0xa7: {  	s6 =	sshll.u32 s26, $0x1;
	_ =	strace $0x80000046;
	[dreg:$0x1] =	wrdreg $0xFFFFFFFF  }
0xa8: {  	s28 =	simm.s32 $_size_execute0_lowered;
	s4 =	sadd.s32 s4, s6;
	[dreg:$0x0] =	wrdreg $0x0  }
0xa9: {  	s6 =	sshll.u32 s28, $0x1;
	[dreg:$0x2] =	wrdreg s4  }
0xaa: {  	[dreg:$0x3] =	wrdreg s6  }
0xab: {  	[dreg:$0x4] =	wrdreg $0xC0  }
0xac: {  	_ =	task [dreg:s8], $0x5FFFF  }
0xad: {  	[dreg:$0x1] =	wrdreg $0xFFFFFFFF  }
0xae: {  	[dreg:$0x0] =	wrdreg $0x60  }
0xaf: {  	[dreg:$0x2] =	wrdreg s2  }
0xb0: {  	[dreg:$0x3] =	wrdreg s24  }
0xb1: {  	[dreg:$0x4] =	wrdreg s18  }
0xb2: {  	[dreg:$0x5] =	wrdreg $0x9  }
0xb3: {  	_ =	task.clear_ibuf [dreg:s8], $0x6FFFF;
	_ =	strace $0x90000046  }
0xb4: {  	s29 =	simm.s32 $0x9;
	_ =	strace $0x80000048  }
0xb5: {  	_ =	swait.ge [sflag:s29], $0x1  }
0xb6: {  	[sflag:s29] =	ssyncadd.s32 $0xFFFFFFFF  }
0xb7: {  	_ =	strace $0x90000048  }
0xb8: {  	_ =	sfence  }
0xb9: {  	s30 =	sld [smem:$0x0];
	_ =	sdelay $0x2  }
0xba: {  	s31 =	sshll.u32 s1, $0xD;
	s1 =	sshrl.u32 s1, $0x2  }
0xbb: {  	s3 =	sand.u32 $0x4000, s31;
	s1 =	sadd.s32 s1, s30  }
0xbc: {  	s0 =	sor.u32 s3, s0;
	s1 =	sshll.u32 s1, $0x11  }
0xbd: {  	s0 =	sor.u32 s1, s0  }
0xbe: {  	s0 =	sadd.s32 $0x8F2B, s0  }
0xbf: {  	[sflag:s0] =	ssyncadd.remote.s32 $0x1  }
0xc0: {  	_ =	sfence.sel $0xFFFF  }
0xc1: {  	[dreg:$0x0] =	wrdreg $0xFFFFFFFF;
	(pc) =	sbr.abs _section_cstart, $3  }
0xc2: {  	[dreg:$0x1] =	wrdreg $0xFFFFFFFF  }
0xc3: {  	_ =	task.clear_ibuf [dreg:s8], $0x2FFFF;
	_ =	strace $0x9FFFFFFF  }
0xc4: {  	(tm) =	ssettm $0x7FFFFFFF  }
0xc5: {  	_ =	shalt  }
tec
execute0_lowered:
.L_overlay_start_1:
0x0: {  	(tag) =	ssettag $0x1  }
0x1: {  	v0 =	vimm.s32 $0xF80;
	vm0 =	vcmask $0x300  }
0x2: {  	s0 =	stileid.u32;
	v0 =	vsel vm0, $0x0, v0;
	vm0 =	vcmask $0x704  }
0x3: {  	s4 =	smul.u32 $0x18, s0;
	v1 =	vsel vm0, $0x80, v0;
	vm0 =	vcmask $0xB08  }
0x4: {  	v2 =	vlaneseq.u32;
	v1 =	vsel vm0, $0x100, v1;
	vm0 =	vcmask $0xF0C  }
0x5: {  	v0 =	vmov s4;
	v3 =	vsel vm0, $0x180, v1;
	vm0 =	vcmask $0x1310  }
0x6: {  	v1 =	vadd.s32 s4, v2;
	v3 =	vsel vm0, $0x200, v3;
	vm0 =	vcmask $0x1714  }
0x7: {  	v4 =	vand.u32 $0x7F, v1;
	v3 =	vsel vm0, $0x280, v3;
	vm0 =	vcmask $0x1B18  }
0x8: {  	v5 =	vshll.u32 v1, $0x3;
	v3 =	vsel vm0, $0x300, v3;
	vm0 =	vcmask $0x1F1C  }
0x9: {  	v5 =	vand.u32 $0x1C00, v5;
	v3 =	vsel vm0, $0x380, v3;
	vm0 =	vcmask $0x2320  }
0xa: {  	s1 =	sadd.s32 $0x10, s4;
	v4 =	vor.u32 v4, v5;
	v3 =	vsel vm0, $0xC00, v3;
	vm0 =	vcmask $0x2724  }
0xb: {  	v5 =	vadd.s32 s1, v2;
	v3 =	vsel vm0, $0xC80, v3;
	vm0 =	vcmask $0x2B28  }
0xc: {  	s5 =	rddreg [dreg:$0x1];
	v6 =	vsub.s32 v5, v0;
	v2 =	vsel vm0, $0xD00, v3;
	vm0 =	vcmask $0x2F2C  }
0xd: {  	s2 =	srdreg.scid;
	s6 =	rddreg [dreg:$0x2];
	s3 =	simm.s32 $0x0;
	vm1 =	vgt.s32 v6, $0x0;
	v2 =	vsel vm0, $0xD80, v2;
	vm0 =	vcmask $0x3330  }
0xe: {  	s11 =	simm.s32 $0x4D00;
	s12 =	sand.u32 $0x1, s2;
	s2 =	rddreg [dreg:$0x3];
	v3 =	vnsel vm1, $0x0, v6;
	v2 =	vsel vm0, $0xE00, v2;
	vm0 =	vcmask $0x3734  }
0xf: {  	[smem:$0x7FF] =	sst s3;
	s7 =	smul.u32 $0x24000, s12;
	s8 =	sshrl.u32 s4, $0x3;
	v7 =	vmin.u32 v3, $0x17;
	v2 =	vsel vm0, $0xE80, v2;
	vm0 =	vcmask $0x3B38  }
0x10: {  	s9 =	ssub.s32 $0x2, s12;
	p0 =	sne.s32 s12, $0x0;
	s8 =	smul.u32 $0xC00, s8;
	v8 =	vshrl.u32 v7, $0x3;
	v3 =	vsel vm0, $0xF00, v2;
	v2 =	vadd.s32 s4, v7  }
.Ltmp0:
0x11: {  	s12 =	simm.s32 $0x0;
	s10 =	sshrl.u32 s9, $0x1;
	v3 =	vadd.s32 v3, v4;
	v4 =	vmul.u32 $0xC00, v8;
	v63 =	vshll.u32 v2, $0x3;
	(pc) =	sbr.rel .LBB2_1-.Ltmp0, $4  }
0x12: {  	s30 =	ssub.s32 s9, s10;
	s9 =	simm.s32 $0x80;
	s10 =	simm.s32 $0x400;
	vm0 =	vlt.s32 v6, $0x18;
	v7 =	vshll.u32 v7, $0x7;
	v6 =	vand.u32 $0x1C00, v63  }
0x13: {  	s7 =	sadd.s32 s7, s8;
	s8 =	simm.s32 $0x2900;
	s1 =	rddreg [dreg:$0x0];
	vm1 =	vlt.u32 v5, $0x145;
	v5 =	vand.u32 $0x380, v7;
	v4 =	vadd.s32 v4, v6  }
0x14: {  	_ =	strace $0x80000047;
	s31 =	sshrl.u32 s7, $0x3;
	s7 =	simm.s32 $0x1;
	vm0 =	vmand vm1, vm0;
	v6 =	vand.u32 $0x7F, v2;
	v4 =	vor.u32 v5, v4  }
0x15: {  	s4 =	sadd.s32 $0x1800, s5;
	s5 =	sadd.s32 s6, s31;
	s6 =	smax.u32 s30, $0x1;
	vm1 =	vlt.u32 v1, $0x145;
	v5 =	vimm.f32 $1.000000000e+00;
	v4 =	vor.u32 v6, v4  }
.LBB2_12:
0x16: {  	s12 =	sadd.s32 $0x1, s12  }
0x17: {  	p1 =	sne.s32 s12, s6  }
.Ltmp1:
0x18: {  	_ = 	snop;
	(pc) =	sbr.rel @!p1 .LBB2_13-.Ltmp1, $4  }
0x19: {  	[hbm4b:s5+s3] =	stream.linear.scatter [tilespmem:s8], [sflag:$0x1], $0x2400, $0x38;
	[tilespmem:$0x4E80] =	vst v63  }
0x1a: {  	_ =	swait.ge [sflag:s7], $0x2400  }
0x1b: {  	[sflag:s7] =	ssyncset.done $0x0  }
0x1c: {  	[sflag:s7] =	ssyncadd.s32 $0xFFFFDC00  }
.LBB2_1:
0x1d: {  	[tilespmem:s3], [sflag:$0x1] =	stream.linear.gather [hbm4b:s1+s3], $0x2900, $0x38;
	[tilespmem:$0x4E80] =	vst v63  }
0x1e: {  	_ =	swait.ge [sflag:s7], $0x2900  }
0x1f: {  	[sflag:s7] =	ssyncset.done $0x0  }
0x20: {  	[sflag:s7] =	ssyncadd.s32 $0xFFFFD700  }
0x21: {  	[tilespmem:s8], [sflag:$0x1] =	stream.linear.gather [hbm4b:s4+s3], $0x2400, $0x38;
	[tilespmem:$0x4E80] =	vst v63  }
0x22: {  	_ =	swait.ge [sflag:s7], $0x2400  }
0x23: {  	[sflag:s7] =	ssyncset.done $0x0  }
0x24: {  	[sflag:s7] =	ssyncadd.s32 $0xFFFFDC00  }
0x25: {  	[tilespmem:s11], [sflag:$0x1] =	stream.strided.gather [hbm4b:s4+s9], $0x180, s10, s9, $0x38;
	[tilespmem:$0x4E80] =	vst v63  }
0x26: {  	_ =	swait.ge [sflag:s7], $0x180  }
0x27: {  	s13 =	simm.s32 $0xFFFFFFFC;
	[sflag:s7] =	ssyncset.done $0x0  }
0x28: {  	p1 =	por $0x0, $0x0;
	s14 =	simm.s32 $0x0;
	[sflag:s7] =	ssyncadd.s32 $0xFFFFFE80  }
.LBB2_2:
0x29: {  	s15 =	simm.s32 $0x1  }
0x2a: {  	s15 =	simm.s32 @!p1 $0x0  }
0x2b: {  	s15 =	sshll.u32 s15, $0x6  }
0x2c: {  	s15 =	sadd.s32 s15, s14  }
0x2d: {  	s16 =	sor.u32 $0x80, s15  }
0x2e: {  	v6 =	vld [tilespmem:s16+$0x0];
	_ =	sdelay $0x7  }
0x2f: {  	s30 =	sor.u32 $0x90, s15;
	[tilespmem:v6+s11+$0x0] =	vst.idx.add.f32.msk $0xffff, v5  }
0x30: {  	v6 =	vld [tilespmem:s30+$0x0];
	_ =	sdelay $0x7  }
0x31: {  	s31 =	sor.u32 $0xA0, s15;
	[tilespmem:v6+s11+$0x0] =	vst.idx.add.f32.msk $0xffff, v5  }
0x32: {  	v6 =	vld [tilespmem:s31+$0x0];
	_ =	sdelay $0x7  }
0x33: {  	s15 =	sor.u32 $0xB0, s15;
	[tilespmem:v6+s11+$0x0] =	vst.idx.add.f32.msk $0xffff, v5  }
0x34: {  	v6 =	vld [tilespmem:s15+$0x0];
	_ =	sdelay $0x1  }
0x35: {  	s13 =	sadd.s32 $0x4, s13  }
0x36: {  	p2 =	slt.u32 s13, $0x140  }
.Ltmp2:
0x37: {  	_ = 	snop;
	(pc) =	sbr.rel @p2 .LBB2_2-.Ltmp2, $2  }
0x38: {  	_ =	sdelay $0x2  }
0x39: {  	p1 =	por !p1, !p1;
	s14 =	sadd.s32 $0x80, s14;
	[tilespmem:v6+s11+$0x0] =	vst.idx.add.f32.msk $0xffff, v5  }
0x3a: {  	v6 =	vld [tilespmem:$0x28C0];
	_ =	sdelay $0x7  }
0x3b: {  	s13 =	simm.s32 $0x4D20;
	[tilespmem:v6+s11+$0x0] =	vst.idx.add.f32.msk $0xffff, v5  }
0x3c: {  	v6 =	vld [tilespmem:s13+$0xFFFFFFF0]  }
0x3d: {  	v7 =	vld [tilespmem:s13+$0xFFFFFFE0];
	_ =	sdelay $0x3  }
0x3e: {  	v6 =	vadd.f32 $1.000000000e+00, v6  }
0x3f: {  	v7 =	vadd.f32 $1.000000000e+00, v7  }
0x40: {  	v8 =	vshrl.u32 v6, $0x1;
	v9 =	vmul.f32 $5.000000000e-01, v6;
	v6 =	vld [tilespmem:s13+$0x0]  }
0x41: {  	v10 =	vshrl.u32 v7, $0x1;
	v11 =	vmul.f32 $5.000000000e-01, v7;
	v7 =	vsub.s32 $0x5F3759DF, v8  }
0x42: {  	v8 =	vsub.s32 $0x5F3759DF, v10;
	v10 =	vmul.f32 v7, v9  }
0x43: {  	v13 =	vld [tilespmem:s13+$0x10];
	v12 =	vmul.f32 v8, v11  }
0x44: {  	v10 =	vmul.f32 v7, v10  }
0x45: {  	v12 =	vmul.f32 v8, v12;
	v6 =	vadd.f32 $1.000000000e+00, v6  }
0x46: {  	v10 =	vsub.f32 $1.500000000e+00, v10  }
0x47: {  	v12 =	vsub.f32 $1.500000000e+00, v12;
	v14 =	vshrl.u32 v6, $0x1;
	v15 =	vmul.f32 $5.000000000e-01, v6  }
0x48: {  	v6 =	vadd.f32 $1.000000000e+00, v13;
	v7 =	vmul.f32 v7, v10;
	v10 =	vsub.s32 $0x5F3759DF, v14  }
0x49: {  	v8 =	vmul.f32 v8, v12;
	v12 =	vmul.f32 v10, v15  }
0x4a: {  	v14 =	vshrl.u32 v6, $0x1;
	v6 =	vmul.f32 $5.000000000e-01, v6;
	v13 =	vmul.f32 v7, v9  }
0x4b: {  	v16 =	vmul.f32 v8, v11;
	v14 =	vsub.s32 $0x5F3759DF, v14;
	v12 =	vmul.f32 v10, v12  }
0x4c: {  	v17 =	vmul.f32 v14, v6;
	v13 =	vmul.f32 v13, v7  }
0x4d: {  	v16 =	vmul.f32 v16, v8;
	v12 =	vsub.f32 $1.500000000e+00, v12  }
0x4e: {  	v17 =	vmul.f32 v14, v17;
	v13 =	vsub.f32 $1.500000000e+00, v13  }
0x4f: {  	v16 =	vsub.f32 $1.500000000e+00, v16;
	v10 =	vmul.f32 v10, v12  }
0x50: {  	v12 =	vmul.f32 v13, v7;
	v7 =	vsub.f32 $1.500000000e+00, v17  }
0x51: {  	v13 =	vmul.f32 v16, v8;
	v8 =	vmul.f32 v10, v15  }
0x52: {  	v9 =	vmul.f32 v12, v9;
	v7 =	vmul.f32 v14, v7  }
0x53: {  	v11 =	vmul.f32 v13, v11;
	v8 =	vmul.f32 v8, v10  }
0x54: {  	v9 =	vmul.f32 v9, v12;
	v14 =	vmul.f32 v7, v6  }
0x55: {  	v11 =	vmul.f32 v11, v13;
	v8 =	vsub.f32 $1.500000000e+00, v8  }
0x56: {  	v9 =	vsub.f32 $1.500000000e+00, v9;
	v14 =	vmul.f32 v14, v7  }
0x57: {  	v11 =	vsub.f32 $1.500000000e+00, v11;
	v8 =	vmul.f32 v8, v10  }
0x58: {  	v10 =	vmul.f32 v9, v12;
	v12 =	vsub.f32 $1.500000000e+00, v14  }
0x59: {  	s14 =	simm.s32 $0x0;
	s15 =	simm.s32 $0x4D60;
	v9 =	vmul.f32 v11, v13;
	v11 =	vmul.f32 v8, v15  }
.LBB2_4:
0x5a: {  	s14 =	sadd.s32 $0x4, s14;
	[tilespmem:s13+$0xFFFFFFF0] =	vst v10;
	v7 =	vmul.f32 v12, v7  }
0x5b: {  	v10 =	vld [tilespmem:s15+$0xFFFFFFF0];
	p1 =	slt.u32 s14, $0x14;
	[tilespmem:s13+$0xFFFFFFE0] =	vst v9;
	v9 =	vmul.f32 v11, v8  }
0x5c: {  	v11 =	vld [tilespmem:s15+$0xFFFFFFE0];
	v6 =	vmul.f32 v7, v6  }
0x5d: {  	v9 =	vsub.f32 $1.500000000e+00, v9  }
0x5e: {  	v6 =	vmul.f32 v6, v7  }
0x5f: {  	v8 =	vmul.f32 v9, v8  }
0x60: {  	v9 =	vadd.f32 $1.000000000e+00, v10;
	v6 =	vsub.f32 $1.500000000e+00, v6  }
0x61: {  	v10 =	vadd.f32 $1.000000000e+00, v11;
	[tilespmem:s13+$0x0] =	vst v8  }
0x62: {  	v8 =	vshrl.u32 v9, $0x1;
	v9 =	vmul.f32 $5.000000000e-01, v9;
	v11 =	vld [tilespmem:s15+$0x0];
	v6 =	vmul.f32 v6, v7  }
0x63: {  	v7 =	vshrl.u32 v10, $0x1;
	v10 =	vmul.f32 $5.000000000e-01, v10;
	v8 =	vsub.s32 $0x5F3759DF, v8  }
0x64: {  	v7 =	vsub.s32 $0x5F3759DF, v7;
	v12 =	vmul.f32 v8, v9;
	[tilespmem:s13+$0x10] =	vst v6;
	s13 =	smov.u32 s15  }
0x65: {  	v6 =	vmul.f32 v7, v10;
	v13 =	vld [tilespmem:s15+$0x10]  }
0x66: {  	v12 =	vmul.f32 v8, v12  }
0x67: {  	v6 =	vmul.f32 v7, v6;
	v11 =	vadd.f32 $1.000000000e+00, v11  }
0x68: {  	v12 =	vsub.f32 $1.500000000e+00, v12  }
0x69: {  	v6 =	vsub.f32 $1.500000000e+00, v6;
	v14 =	vshrl.u32 v11, $0x1;
	v11 =	vmul.f32 $5.000000000e-01, v11  }
0x6a: {  	v8 =	vmul.f32 v8, v12;
	v12 =	vsub.s32 $0x5F3759DF, v14;
	v13 =	vadd.f32 $1.000000000e+00, v13  }
0x6b: {  	v7 =	vmul.f32 v7, v6;
	v14 =	vmul.f32 v12, v11  }
0x6c: {  	v15 =	vmul.f32 v8, v9;
	v16 =	vshrl.u32 v13, $0x1;
	v6 =	vmul.f32 $5.000000000e-01, v13  }
0x6d: {  	v13 =	vmul.f32 v7, v10;
	v14 =	vmul.f32 v12, v14;
	v16 =	vsub.s32 $0x5F3759DF, v16  }
0x6e: {  	v15 =	vmul.f32 v15, v8;
	v17 =	vmul.f32 v16, v6  }
0x6f: {  	v13 =	vmul.f32 v13, v7;
	v14 =	vsub.f32 $1.500000000e+00, v14  }
0x70: {  	v15 =	vsub.f32 $1.500000000e+00, v15;
	v17 =	vmul.f32 v16, v17  }
0x71: {  	v13 =	vsub.f32 $1.500000000e+00, v13;
	v12 =	vmul.f32 v12, v14  }
0x72: {  	v14 =	vmul.f32 v15, v8;
	v8 =	vsub.f32 $1.500000000e+00, v17  }
0x73: {  	v13 =	vmul.f32 v13, v7;
	v15 =	vmul.f32 v12, v11  }
0x74: {  	v9 =	vmul.f32 v14, v9;
	v7 =	vmul.f32 v16, v8  }
0x75: {  	v8 =	vmul.f32 v13, v10;
	v10 =	vmul.f32 v15, v12  }
0x76: {  	v9 =	vmul.f32 v9, v14;
	v15 =	vmul.f32 v7, v6  }
.Ltmp3:
0x77: {  	v8 =	vmul.f32 v8, v13;
	v10 =	vsub.f32 $1.500000000e+00, v10;
	(pc) =	sbr.rel @p1 .LBB2_4-.Ltmp3, $4  }
0x78: {  	v9 =	vsub.f32 $1.500000000e+00, v9;
	v15 =	vmul.f32 v15, v7  }
0x79: {  	v16 =	vsub.f32 $1.500000000e+00, v8;
	v8 =	vmul.f32 v10, v12  }
0x7a: {  	v10 =	vmul.f32 v9, v14;
	v12 =	vsub.f32 $1.500000000e+00, v15  }
0x7b: {  	s15 =	sadd.s32 $0x40, s15;
	v9 =	vmul.f32 v16, v13;
	v11 =	vmul.f32 v8, v11  }
0x7c: {  	v7 =	vmul.f32 v12, v7;
	_ =	sdelay $0x1  }
0x7d: {  	v6 =	vmul.f32 v7, v6  }
0x7e: {  	v11 =	vmul.f32 v11, v8  }
0x7f: {  	v6 =	vmul.f32 v6, v7  }
0x80: {  	v11 =	vsub.f32 $1.500000000e+00, v11  }
.Ltmp4:
0x81: {  	v6 =	vsub.f32 $1.500000000e+00, v6;
	(pc) =	sbr.rel @p0 .LBB2_6-.Ltmp4, $4  }
0x82: {  	[tilespmem:s13+$0xFFFFFFF0] =	vst v10;
	v63 =	vmul.f32 v11, v8  }
0x83: {  	[tilespmem:s13+$0xFFFFFFE0] =	vst v9;
	v6 =	vmul.f32 v6, v7  }
0x84: {  	[tilespmem:s13+$0x0] =	vst v63  }
0x85: {  	[tilespmem:s13+$0x10] =	vst v6  }
0x86: {  	s13 =	simm.s32 $0xFFFFFFFC  }
0x87: {  	p1 =	por $0x0, $0x0;
	s14 =	simm.s32 $0x0;
	s15 =	simm.s32 $0x0  }
.LBB2_10:
0x88: {  	s16 =	sand.u32 $0x40, s14;
	s17 =	sand.u32 $0x1F00, s15  }
0x89: {  	s18 =	simm.s32 $0x1;
	s16 =	sor.u32 s16, s17  }
0x8a: {  	s18 =	simm.s32 @!p1 $0x0;
	v6 =	vld [tilespmem:s16+$0x0]  }
0x8b: {  	s26 =	sshll.u32 s18, $0x6  }
0x8c: {  	s17 =	sadd.s32 s26, s15  }
0x8d: {  	s28 =	sor.u32 $0x80, s17  }
0x8e: {  	v7 =	vld [tilespmem:s28+$0x0]  }
0x8f: {  	v8 =	vsub.s32 v6, v0  }
0x90: {  	vm2 =	vgt.s32 v8, $0x0  }
0x91: {  	v9 =	vnsel vm2, $0x0, v8  }
0x92: {  	v9 =	vmin.u32 v9, $0x17  }
0x93: {  	v10 =	vshrl.u32 v9, $0x3  }
0x94: {  	v11 =	vshll.u32 v7, $0x3;
	v10 =	vmul.u32 $0xC00, v10  }
0x95: {  	v6 =	vld.idx.msk [tilespmem:v6+s11+$0x0], $0xffff;
	v11 =	vand.u32 $0xFFFFFC00, v11;
	v9 =	vshll.u32 v9, $0x7  }
0x96: {  	v9 =	vand.u32 $0x380, v9;
	v44 =	vld.idx.msk [tilespmem:v7+s11+$0x0], $0xffff;
	v10 =	vadd.s32 v11, v10  }
0x97: {  	vm2 =	vlt.u32 v8, $0x18;
	v7 =	vand.u32 $0x7F, v7;
	v45 =	vor.u32 v9, v10  }
0x98: {  	v7 =	vor.u32 v7, v45;
	_ =	sdelay $0x2  }
0x99: {  	v6 =	vmul.f32 v44, v6;
	_ =	sdelay $0x1  }
0x9a: {  	[tilespmem:v7+s8+$0x0] =	vst.idx.add.f32.msk vm2, v6  }
0x9b: {  	v6 =	vld [tilespmem:s16+$0x10];
	_ =	sdelay $0x1  }
0x9c: {  	s29 =	sadd.s32 $0x10, s17  }
0x9d: {  	s18 =	sor.u32 $0x80, s29  }
0x9e: {  	v7 =	vld [tilespmem:s18+$0x0]  }
0x9f: {  	v46 =	vsub.s32 v6, v0  }
0xa0: {  	vm2 =	vgt.s32 v46, $0x0  }
0xa1: {  	v47 =	vnsel vm2, $0x0, v46  }
0xa2: {  	v9 =	vmin.u32 v47, $0x17  }
0xa3: {  	v48 =	vshrl.u32 v9, $0x3  }
0xa4: {  	v49 =	vshll.u32 v7, $0x3;
	v10 =	vmul.u32 $0xC00, v48  }
0xa5: {  	v11 =	vand.u32 $0xFFFFFC00, v49;
	v6 =	vld.idx.msk [tilespmem:v6+s11+$0x0], $0xffff;
	v9 =	vshll.u32 v9, $0x7  }
0xa6: {  	v50 =	vld.idx.msk [tilespmem:v7+s11+$0x0], $0xffff;
	v9 =	vand.u32 $0x380, v9;
	v10 =	vadd.s32 v11, v10  }
0xa7: {  	vm2 =	vlt.u32 v46, $0x18;
	v7 =	vand.u32 $0x7F, v7;
	v51 =	vor.u32 v9, v10  }
0xa8: {  	v7 =	vor.u32 v7, v51;
	_ =	sdelay $0x2  }
0xa9: {  	v6 =	vmul.f32 v50, v6;
	_ =	sdelay $0x1  }
0xaa: {  	[tilespmem:v7+s8+$0x0] =	vst.idx.add.f32.msk vm2, v6  }
0xab: {  	v6 =	vld [tilespmem:s16+$0x20];
	_ =	sdelay $0x1  }
0xac: {  	s30 =	sadd.s32 $0x20, s17  }
0xad: {  	s18 =	sor.u32 $0x80, s30  }
0xae: {  	v7 =	vld [tilespmem:s18+$0x0]  }
0xaf: {  	v52 =	vsub.s32 v6, v0  }
0xb0: {  	vm2 =	vgt.s32 v52, $0x0  }
0xb1: {  	v53 =	vnsel vm2, $0x0, v52  }
0xb2: {  	v9 =	vmin.u32 v53, $0x17  }
0xb3: {  	v54 =	vshrl.u32 v9, $0x3  }
0xb4: {  	v55 =	vshll.u32 v7, $0x3;
	v10 =	vmul.u32 $0xC00, v54  }
0xb5: {  	v11 =	vand.u32 $0xFFFFFC00, v55;
	v6 =	vld.idx.msk [tilespmem:v6+s11+$0x0], $0xffff;
	v9 =	vshll.u32 v9, $0x7  }
0xb6: {  	v56 =	vld.idx.msk [tilespmem:v7+s11+$0x0], $0xffff;
	v9 =	vand.u32 $0x380, v9;
	v10 =	vadd.s32 v11, v10  }
0xb7: {  	vm2 =	vlt.u32 v52, $0x18;
	v7 =	vand.u32 $0x7F, v7;
	v57 =	vor.u32 v9, v10  }
0xb8: {  	v7 =	vor.u32 v7, v57;
	_ =	sdelay $0x2  }
0xb9: {  	v6 =	vmul.f32 v56, v6;
	_ =	sdelay $0x1  }
0xba: {  	[tilespmem:v7+s8+$0x0] =	vst.idx.add.f32.msk vm2, v6  }
0xbb: {  	v6 =	vld [tilespmem:s16+$0x30];
	_ =	sdelay $0x1  }
0xbc: {  	s31 =	sadd.s32 $0x30, s17  }
0xbd: {  	s16 =	sor.u32 $0x80, s31  }
0xbe: {  	v7 =	vld [tilespmem:s16+$0x0]  }
0xbf: {  	v58 =	vsub.s32 v6, v0  }
0xc0: {  	vm2 =	vgt.s32 v58, $0x0  }
0xc1: {  	v59 =	vnsel vm2, $0x0, v58  }
0xc2: {  	v9 =	vmin.u32 v59, $0x17  }
0xc3: {  	v60 =	vshrl.u32 v9, $0x3  }
0xc4: {  	v61 =	vshll.u32 v7, $0x3;
	v10 =	vmul.u32 $0xC00, v60  }
0xc5: {  	v11 =	vand.u32 $0xFFFFFC00, v61;
	v6 =	vld.idx.msk [tilespmem:v6+s11+$0x0], $0xffff;
	v9 =	vshll.u32 v9, $0x7  }
0xc6: {  	v62 =	vld.idx.msk [tilespmem:v7+s11+$0x0], $0xffff;
	v9 =	vand.u32 $0x380, v9;
	v10 =	vadd.s32 v11, v10  }
0xc7: {  	s13 =	sadd.s32 $0x4, s13;
	vm2 =	vlt.u32 v58, $0x18;
	v7 =	vand.u32 $0x7F, v7;
	v63 =	vor.u32 v9, v10  }
0xc8: {  	p2 =	slt.u32 s13, $0x9C;
	v7 =	vor.u32 v7, v63  }
.Ltmp5:
0xc9: {  	_ = 	snop;
	(pc) =	sbr.rel @p2 .LBB2_10-.Ltmp5, $3  }
0xca: {  	_ = 	snop  }
0xcb: {  	v6 =	vmul.f32 v62, v6;
	_ =	sdelay $0x1  }
0xcc: {  	s14 =	sadd.s32 $0x40, s14;
	p1 =	por !p1, !p1;
	s15 =	sadd.s32 $0x80, s15;
	[tilespmem:v7+s8+$0x0] =	vst.idx.add.f32.msk vm2, v6  }
0xcd: {  	v6 =	vld [tilespmem:$0x1400];
	_ =	sdelay $0x3  }
0xce: {  	v7 =	vld [tilespmem:$0x1480]  }
0xcf: {  	v8 =	vsub.s32 v6, v0  }
0xd0: {  	vm2 =	vgt.s32 v8, $0x0  }
0xd1: {  	v9 =	vnsel vm2, $0x0, v8  }
0xd2: {  	v9 =	vmin.u32 v9, $0x17  }
0xd3: {  	v10 =	vshrl.u32 v9, $0x3  }
0xd4: {  	v11 =	vshll.u32 v7, $0x3;
	v10 =	vmul.u32 $0xC00, v10  }
0xd5: {  	v11 =	vand.u32 $0xFFFFFC00, v11;
	v6 =	vld.idx.msk [tilespmem:v6+s11+$0x0], $0xffff;
	v9 =	vshll.u32 v9, $0x7  }
0xd6: {  	v50 =	vld.idx.msk [tilespmem:v7+s11+$0x0], $0xffff;
	v9 =	vand.u32 $0x380, v9;
	v10 =	vadd.s32 v11, v10  }
0xd7: {  	vm2 =	vlt.u32 v8, $0x18;
	v7 =	vand.u32 $0x7F, v7;
	v51 =	vor.u32 v9, v10  }
0xd8: {  	v7 =	vor.u32 v7, v51;
	_ =	sdelay $0x2  }
0xd9: {  	v6 =	vmul.f32 v50, v6;
	_ =	sdelay $0x1  }
0xda: {  	[tilespmem:v7+s8+$0x0] =	vst.idx.add.f32.msk vm2, v6  }
0xdb: {  	v6 =	vld [tilespmem:$0x1410];
	_ =	sdelay $0x3  }
0xdc: {  	v7 =	vld [tilespmem:$0x1490]  }
0xdd: {  	v52 =	vsub.s32 v6, v0  }
0xde: {  	vm2 =	vgt.s32 v52, $0x0  }
0xdf: {  	v53 =	vnsel vm2, $0x0, v52  }
0xe0: {  	v9 =	vmin.u32 v53, $0x17  }
0xe1: {  	v54 =	vshrl.u32 v9, $0x3  }
0xe2: {  	v55 =	vshll.u32 v7, $0x3;
	v10 =	vmul.u32 $0xC00, v54  }
0xe3: {  	v11 =	vand.u32 $0xFFFFFC00, v55;
	v6 =	vld.idx.msk [tilespmem:v6+s11+$0x0], $0xffff;
	v9 =	vshll.u32 v9, $0x7  }
0xe4: {  	v56 =	vld.idx.msk [tilespmem:v7+s11+$0x0], $0xffff;
	v9 =	vand.u32 $0x380, v9;
	v10 =	vadd.s32 v11, v10  }
0xe5: {  	vm2 =	vlt.u32 v52, $0x18;
	v7 =	vand.u32 $0x7F, v7;
	v57 =	vor.u32 v9, v10  }
0xe6: {  	v7 =	vor.u32 v7, v57;
	_ =	sdelay $0x2  }
0xe7: {  	v6 =	vmul.f32 v56, v6;
	_ =	sdelay $0x1  }
0xe8: {  	[tilespmem:v7+s8+$0x0] =	vst.idx.add.f32.msk vm2, v6  }
0xe9: {  	v6 =	vld [tilespmem:$0x1420];
	_ =	sdelay $0x3  }
0xea: {  	v7 =	vld [tilespmem:$0x14A0]  }
0xeb: {  	v58 =	vsub.s32 v6, v0  }
0xec: {  	vm2 =	vgt.s32 v58, $0x0  }
0xed: {  	v59 =	vnsel vm2, $0x0, v58  }
0xee: {  	v9 =	vmin.u32 v59, $0x17  }
0xef: {  	v60 =	vshrl.u32 v9, $0x3  }
0xf0: {  	v61 =	vshll.u32 v7, $0x3;
	v10 =	vmul.u32 $0xC00, v60  }
0xf1: {  	v11 =	vand.u32 $0xFFFFFC00, v61;
	v6 =	vld.idx.msk [tilespmem:v6+s11+$0x0], $0xffff;
	v9 =	vshll.u32 v9, $0x7  }
0xf2: {  	v62 =	vld.idx.msk [tilespmem:v7+s11+$0x0], $0xffff;
	v9 =	vand.u32 $0x380, v9;
	v10 =	vadd.s32 v11, v10  }
0xf3: {  	vm2 =	vlt.u32 v58, $0x18;
	v7 =	vand.u32 $0x7F, v7;
	v63 =	vor.u32 v9, v10  }
0xf4: {  	v7 =	vor.u32 v7, v63;
	_ =	sdelay $0x2  }
0xf5: {  	v6 =	vmul.f32 v62, v6;
	_ =	sdelay $0x1  }
0xf6: {  	[tilespmem:v7+s8+$0x0] =	vst.idx.add.f32.msk vm2, v6  }
0xf7: {  	v6 =	vld.idx.msk [tilespmem:v1+s11+$0x0], $0xffff;
	_ =	sdelay $0x4  }
0xf8: {  	v6 =	vmul.f32 v6, v6;
	_ =	sdelay $0x1  }
0xf9: {  	[tilespmem:v3+s8+$0x0] =	vst.idx.add.f32.msk vm1, v6  }
0xfa: {  	v6 =	vld.idx.msk [tilespmem:v2+s11+$0x0], $0xffff;
	_ =	sdelay $0x2  }
.Ltmp6:
0xfb: {  	_ = 	snop;
	(pc) =	sbr.rel .LBB2_12-.Ltmp6, $3  }
0xfc: {  	_ = 	snop  }
0xfd: {  	v6 =	vmul.f32 v6, v6;
	_ =	sdelay $0x1  }
0xfe: {  	[tilespmem:v4+s8+$0x0] =	vst.idx.add.f32.msk vm0, v6  }
.LBB2_6:
0xff: {  	s13 =	simm.s32 $0x9F;
	s14 =	simm.s32 $0x1460;
	s15 =	simm.s32 $0xA60  }
.LBB2_7:
0x100: {  	s16 =	sadd.s32 $0xFFFFFFD0, s15  }
0x101: {  	s17 =	sand.u32 $0x3F00, s14;
	s16 =	sand.u32 $0x70, s16  }
0x102: {  	s16 =	sor.u32 s16, s17  }
0x103: {  	v6 =	vld [tilespmem:s16+$0x0];
	_ =	sdelay $0x3  }
0x104: {  	v7 =	vld [tilespmem:s16+$0x80]  }
0x105: {  	v8 =	vsub.s32 v6, v0  }
0x106: {  	vm2 =	vgt.s32 v8, $0x0  }
0x107: {  	v9 =	vnsel vm2, $0x0, v8  }
0x108: {  	v9 =	vmin.u32 v9, $0x17  }
0x109: {  	v10 =	vshrl.u32 v9, $0x3  }
0x10a: {  	v11 =	vshll.u32 v7, $0x3;
	v10 =	vmul.u32 $0xC00, v10  }
0x10b: {  	v11 =	vand.u32 $0xFFFFFC00, v11;
	v6 =	vld.idx.msk [tilespmem:v6+s11+$0x0], $0xffff;
	v9 =	vshll.u32 v9, $0x7  }
0x10c: {  	v44 =	vld.idx.msk [tilespmem:v7+s11+$0x0], $0xffff;
	v9 =	vand.u32 $0x380, v9;
	v10 =	vadd.s32 v11, v10  }
0x10d: {  	vm2 =	vlt.u32 v8, $0x18;
	v7 =	vand.u32 $0x7F, v7;
	v45 =	vor.u32 v9, v10  }
0x10e: {  	v7 =	vor.u32 v7, v45;
	_ =	sdelay $0x2  }
0x10f: {  	s25 =	sadd.s32 $0xFFFFFFE0, s15;
	s26 =	sadd.s32 $0x20, s14;
	v6 =	vmul.f32 v44, v6  }
0x110: {  	s17 =	sand.u32 $0x7F00, s26;
	s16 =	sand.u32 $0x70, s25  }
0x111: {  	s16 =	sor.u32 s16, s17;
	[tilespmem:v7+s8+$0x0] =	vst.idx.add.f32.msk vm2, v6  }
0x112: {  	v6 =	vld [tilespmem:s16+$0x0];
	_ =	sdelay $0x3  }
0x113: {  	v7 =	vld [tilespmem:s16+$0x80]  }
0x114: {  	v46 =	vsub.s32 v6, v0  }
0x115: {  	vm2 =	vgt.s32 v46, $0x0  }
0x116: {  	v47 =	vnsel vm2, $0x0, v46  }
0x117: {  	v9 =	vmin.u32 v47, $0x17  }
0x118: {  	v48 =	vshrl.u32 v9, $0x3  }
0x119: {  	v49 =	vshll.u32 v7, $0x3;
	v10 =	vmul.u32 $0xC00, v48  }
0x11a: {  	v11 =	vand.u32 $0xFFFFFC00, v49;
	v6 =	vld.idx.msk [tilespmem:v6+s11+$0x0], $0xffff;
	v9 =	vshll.u32 v9, $0x7  }
0x11b: {  	v50 =	vld.idx.msk [tilespmem:v7+s11+$0x0], $0xffff;
	v9 =	vand.u32 $0x380, v9;
	v10 =	vadd.s32 v11, v10  }
0x11c: {  	vm2 =	vlt.u32 v46, $0x18;
	v7 =	vand.u32 $0x7F, v7;
	v51 =	vor.u32 v9, v10  }
0x11d: {  	v7 =	vor.u32 v7, v51;
	_ =	sdelay $0x2  }
0x11e: {  	s28 =	sadd.s32 $0xFFFFFFF0, s15;
	s29 =	sadd.s32 $0x40, s14;
	v6 =	vmul.f32 v50, v6  }
0x11f: {  	s17 =	sand.u32 $0x7F00, s29;
	s16 =	sand.u32 $0x70, s28  }
0x120: {  	s16 =	sor.u32 s16, s17;
	[tilespmem:v7+s8+$0x0] =	vst.idx.add.f32.msk vm2, v6  }
0x121: {  	v6 =	vld [tilespmem:s16+$0x0];
	_ =	sdelay $0x3  }
0x122: {  	v7 =	vld [tilespmem:s16+$0x80]  }
0x123: {  	v52 =	vsub.s32 v6, v0  }
0x124: {  	vm2 =	vgt.s32 v52, $0x0  }
0x125: {  	v53 =	vnsel vm2, $0x0, v52  }
0x126: {  	v9 =	vmin.u32 v53, $0x17  }
0x127: {  	v54 =	vshrl.u32 v9, $0x3  }
0x128: {  	v55 =	vshll.u32 v7, $0x3;
	v10 =	vmul.u32 $0xC00, v54  }
0x129: {  	v11 =	vand.u32 $0xFFFFFC00, v55;
	v6 =	vld.idx.msk [tilespmem:v6+s11+$0x0], $0xffff;
	v9 =	vshll.u32 v9, $0x7  }
0x12a: {  	v56 =	vld.idx.msk [tilespmem:v7+s11+$0x0], $0xffff;
	v9 =	vand.u32 $0x380, v9;
	v10 =	vadd.s32 v11, v10  }
0x12b: {  	vm2 =	vlt.u32 v52, $0x18;
	v7 =	vand.u32 $0x7F, v7;
	v57 =	vor.u32 v9, v10  }
0x12c: {  	v7 =	vor.u32 v7, v57;
	_ =	sdelay $0x2  }
0x12d: {  	s30 =	sadd.s32 $0x60, s14;
	v6 =	vmul.f32 v56, v6  }
0x12e: {  	s31 =	sand.u32 $0x70, s15;
	s16 =	sand.u32 $0x7F00, s30  }
0x12f: {  	s16 =	sor.u32 s31, s16;
	[tilespmem:v7+s8+$0x0] =	vst.idx.add.f32.msk vm2, v6  }
0x130: {  	v6 =	vld [tilespmem:s16+$0x0];
	_ =	sdelay $0x3  }
0x131: {  	v7 =	vld [tilespmem:s16+$0x80]  }
0x132: {  	v58 =	vsub.s32 v6, v0  }
0x133: {  	vm2 =	vgt.s32 v58, $0x0  }
0x134: {  	v59 =	vnsel vm2, $0x0, v58  }
0x135: {  	v9 =	vmin.u32 v59, $0x17  }
0x136: {  	v60 =	vshrl.u32 v9, $0x3  }
0x137: {  	v61 =	vshll.u32 v7, $0x3;
	v10 =	vmul.u32 $0xC00, v60  }
0x138: {  	v11 =	vand.u32 $0xFFFFFC00, v61;
	v6 =	vld.idx.msk [tilespmem:v6+s11+$0x0], $0xffff;
	v9 =	vshll.u32 v9, $0x7  }
0x139: {  	v62 =	vld.idx.msk [tilespmem:v7+s11+$0x0], $0xffff;
	v9 =	vand.u32 $0x380, v9;
	v10 =	vadd.s32 v11, v10  }
0x13a: {  	s13 =	sadd.s32 $0x4, s13;
	vm2 =	vlt.u32 v58, $0x18;
	v7 =	vand.u32 $0x7F, v7;
	v63 =	vor.u32 v9, v10  }
0x13b: {  	p1 =	slt.u32 s13, $0x13F;
	v7 =	vor.u32 v7, v63  }
.Ltmp7:
0x13c: {  	_ = 	snop;
	(pc) =	sbr.rel @p1 .LBB2_7-.Ltmp7, $3  }
0x13d: {  	_ = 	snop  }
0x13e: {  	v6 =	vmul.f32 v62, v6;
	_ =	sdelay $0x1  }
0x13f: {  	s14 =	sadd.s32 $0x80, s14;
	s15 =	sadd.s32 $0x40, s15;
	[tilespmem:v7+s8+$0x0] =	vst.idx.add.f32.msk vm2, v6  }
0x140: {  	v6 =	vld [tilespmem:$0x2830];
	_ =	sdelay $0x3  }
0x141: {  	v7 =	vld [tilespmem:$0x28B0]  }
0x142: {  	v8 =	vsub.s32 v6, v0  }
0x143: {  	vm2 =	vgt.s32 v8, $0x0  }
0x144: {  	v9 =	vnsel vm2, $0x0, v8  }
0x145: {  	v9 =	vmin.u32 v9, $0x17  }
0x146: {  	v10 =	vshrl.u32 v9, $0x3  }
0x147: {  	v11 =	vshll.u32 v7, $0x3;
	v10 =	vmul.u32 $0xC00, v10  }
0x148: {  	v11 =	vand.u32 $0xFFFFFC00, v11;
	v6 =	vld.idx.msk [tilespmem:v6+s11+$0x0], $0xffff;
	v9 =	vshll.u32 v9, $0x7  }
0x149: {  	v56 =	vld.idx.msk [tilespmem:v7+s11+$0x0], $0xffff;
	v9 =	vand.u32 $0x380, v9;
	v10 =	vadd.s32 v11, v10  }
0x14a: {  	vm2 =	vlt.u32 v8, $0x18;
	v7 =	vand.u32 $0x7F, v7;
	v57 =	vor.u32 v9, v10  }
0x14b: {  	v7 =	vor.u32 v7, v57;
	_ =	sdelay $0x2  }
0x14c: {  	v6 =	vmul.f32 v56, v6;
	_ =	sdelay $0x1  }
0x14d: {  	[tilespmem:v7+s8+$0x0] =	vst.idx.add.f32.msk vm2, v6  }
0x14e: {  	v6 =	vld [tilespmem:$0x2840];
	_ =	sdelay $0x3  }
0x14f: {  	v7 =	vld [tilespmem:$0x28C0]  }
0x150: {  	v58 =	vsub.s32 v6, v0  }
0x151: {  	vm2 =	vgt.s32 v58, $0x0  }
0x152: {  	v59 =	vnsel vm2, $0x0, v58  }
0x153: {  	v9 =	vmin.u32 v59, $0x17  }
0x154: {  	v60 =	vshrl.u32 v9, $0x3  }
0x155: {  	v61 =	vshll.u32 v7, $0x3;
	v10 =	vmul.u32 $0xC00, v60  }
0x156: {  	v11 =	vand.u32 $0xFFFFFC00, v61;
	v6 =	vld.idx.msk [tilespmem:v6+s11+$0x0], $0xffff;
	v9 =	vshll.u32 v9, $0x7  }
0x157: {  	v62 =	vld.idx.msk [tilespmem:v7+s11+$0x0], $0xffff;
	v9 =	vand.u32 $0x380, v9;
	v10 =	vadd.s32 v11, v10  }
0x158: {  	vm2 =	vlt.u32 v58, $0x18;
	v7 =	vand.u32 $0x7F, v7;
	v63 =	vor.u32 v9, v10  }
0x159: {  	v7 =	vor.u32 v7, v63  }
.Ltmp8:
0x15a: {  	_ = 	snop;
	(pc) =	sbr.rel .LBB2_12-.Ltmp8, $3  }
0x15b: {  	_ = 	snop  }
0x15c: {  	v6 =	vmul.f32 v62, v6;
	_ =	sdelay $0x1  }
0x15d: {  	[tilespmem:v7+s8+$0x0] =	vst.idx.add.f32.msk vm2, v6  }
.LBB2_13:
0x15e: {  	_ =	sfence.sel $0x180000  }
0x15f: {  	[bflag:$0x0] =	sbarrier.arrive $0xFFFF  }
0x160: {  	p0 =	sne.s32 s0, $0x0;
	_ =	strace $0x90000047  }
0x161: {  	s0 =	sadd.s32 @!p0 $0x100000, s2;
	[bflag:$0x2] =	sbarrier.arrive $0xFFFF  }
0x162: {  	[sflag:s0] =	ssyncadd.tile.s32 @!p0 $0x1;
	_ =	shalt  }
.Lfunc_end2:
_tile_overlayer_lowered:
.L_overlay_start_2:
0x163: {  	(tag) =	ssettag $0x2  }
0x164: {  	s0 =	rddreg [dreg:$0x0];
	s2 =	stileid.u32  }
0x165: {  	s1 =	rddreg [dreg:$0x1];
	p0 =	sne.s32 s2, $0x0  }
0x166: {  	s3 =	rddreg [dreg:$0x2];
	[bflag:$0x3] =	sbarrier.arrive $0xFFFF;
	s2 =	simm.s32 @!p0 $0x1C01  }
0x167: {  	[timem:s3], [sflag:s2] =	dma.local @!p0 [hbm:s0], s1  }
0x168: {  	s0 =	simm.s32 @!p0 $0x1  }
0x169: {  	_ =	swait.ge @!p0 [sflag:s0], s1  }
0x16a: {  	s1 =	ssub.s32 @!p0 $0x0, s1;
	[sflag:s0] =	ssyncset.done @!p0 $0x0  }
0x16b: {  	[sflag:s0] =	ssyncadd.s32 @!p0 s1  }
0x16c: {  	[bflag:$0x3] =	sbarrier.arrive $0xFFFF  }
0x16d: {  	_ =	shalt  }

</sc_bundles>
